<compile_context>
chip_gen: v7x
topology: tpu7x:2x2x1
jax: 0.10.2.dev20260603
libtpu: 0.0.44.dev20260713+nightly
codegen_flags: <defaults>
</compile_context>

<pallas_src>
import functools

import jax
import jax.numpy as jnp
from jax import lax
from jax.experimental import pallas as pl
from jax.experimental.pallas import tpu as pltpu
from jax.experimental.pallas import tpu_sc as plsc

N = 10000
E = 320000
D = 128
OUT = 128
H = D // 2

NEG_INF = float("-inf")



def _pre_body(x_ref, wp_ref, wf1_ref, bf_ref, yp_ref, p1_ref):
    x = x_ref[...]
    yt = lax.dot_general(wp_ref[...], x, (((0,), (1,)), ((), ())),
                         preferred_element_type=jnp.float32)
    lo = lax.convert_element_type(
        lax.bitcast_convert_type(yt[:H].astype(jnp.bfloat16), jnp.uint16),
        jnp.uint32)
    hi = lax.convert_element_type(
        lax.bitcast_convert_type(yt[H:].astype(jnp.bfloat16), jnp.uint16),
        jnp.uint32)
    yp_ref[...] = lax.bitcast_convert_type((hi << 16) | lo, jnp.int32)
    p1_ref[...] = lax.dot_general(
        x, wf1_ref[...], (((1,), (0,)), ((), ())),
        preferred_element_type=jnp.float32) + bf_ref[...]


def _tc_pre(x, w_pool, wf1, b_final):
    return pl.pallas_call(
        _pre_body,
        out_shape=(
            jax.ShapeDtypeStruct((H, N), jnp.int32),
            jax.ShapeDtypeStruct((N, OUT), jnp.float32),
        ),
    )(x, w_pool, wf1, b_final)



_CHUNK = 800
_NCHUNK = E // _CHUNK
_NVEC = _CHUNK // 16
_HIMASK = -65536


def _unpack_lo(g):
    return lax.bitcast_convert_type(g << 16, jnp.float32)


def _unpack_hi(g):
    return lax.bitcast_convert_type(g & _HIMASK, jnp.float32)


def _sc_agg_body(yp_hbm, src_hbm, dst_hbm, w_hbm, agg_hbm,
                 yp0, yp1,
                 a00, a01, a02, a03, a10, a11, a12, a13,
                 sb0, sb1, db0, db1, wb0, wb1, dscr0, dscr1, sems):
    banks = ((a00, a01, a02, a03), (a10, a11, a12, a13))
    src_b = (sb0, sb1)
    dst_b = (db0, db1)
    w_b = (wb0, wb1)
    wid = lax.axis_index("s") * 2 + lax.axis_index("c")
    prow = wid * 2

    def start_chunk(c, slot):
        base = c * _CHUNK
        pltpu.async_copy(src_hbm.at[pl.ds(base, _CHUNK)],
                         src_b[slot].at[pl.ds(0, _CHUNK)], sems.at[slot])
        pltpu.async_copy(dst_hbm.at[pl.ds(base, _CHUNK)],
                         dst_b[slot].at[pl.ds(0, _CHUNK)], sems.at[slot])
        pltpu.async_copy(w_hbm.at[pl.ds(base, _CHUNK)],
                         w_b[slot].at[pl.ds(0, _CHUNK)], sems.at[slot])

    def wait_chunk(slot):
        pltpu.make_async_copy(src_hbm.at[pl.ds(0, _CHUNK)],
                              src_b[slot].at[pl.ds(0, _CHUNK)],
                              sems.at[slot]).wait()
        pltpu.make_async_copy(dst_hbm.at[pl.ds(0, _CHUNK)],
                              dst_b[slot].at[pl.ds(0, _CHUNK)],
                              sems.at[slot]).wait()
        pltpu.make_async_copy(w_hbm.at[pl.ds(0, _CHUNK)],
                              w_b[slot].at[pl.ds(0, _CHUNK)],
                              sems.at[slot]).wait()

    start_chunk(0, 0)
    pltpu.sync_copy(yp_hbm.at[prow], yp0)
    pltpu.sync_copy(yp_hbm.at[prow + 1], yp1)

    ninf = jnp.full((16,), NEG_INF, jnp.float32)

    def _init(i, _):
        for bank in banks:
            for acc in bank:
                acc[pl.ds(i * 16, 16)] = ninf
        return 0

    lax.fori_loop(0, N // 16, _init, 0)

    zi = jnp.zeros((16,), jnp.int32)
    zf = jnp.zeros((16,), jnp.float32)
    for t in range(2):
        for q in range(2):
            sl = pl.ds(_CHUNK + q * 16, 16)
            src_b[t][sl] = zi
            dst_b[t][sl] = zi
            w_b[t][sl] = zf

    lane = lax.iota(jnp.int32, 16)
    dscrs = (dscr0, dscr1)

    def fetch_pair(slot, i):
        sdw = []
        for u in range(2):
            off = (2 * i + u) * 16
            sdw.append((src_b[slot][pl.ds(off, 16)],
                        dst_b[slot][pl.ds(off, 16)],
                        w_b[slot][pl.ds(off, 16)]))
        gots = []
        for u in range(2):
            plsc.store_scatter(dscrs[u], [sdw[u][1]], lane)
            gots.append(plsc.load_gather(dscrs[u], [sdw[u][1]]))
        gs = []
        for u in range(2):
            gs.append(plsc.load_gather(yp0, [sdw[u][0]]))
            gs.append(plsc.load_gather(yp1, [sdw[u][0]]))
        pop = plsc.all_reduce_population_count(
            (gots[0] != lane) | (gots[1] != lane))
        bad = pop[0] > 0
        return (sdw[0][1], sdw[1][1], sdw[0][2], sdw[1][2],
                gs[0], gs[1], gs[2], gs[3], bad)

    def process_chunk(c, slot):
        def vec_body(i, carry):
            d0, d1, w0, w1, g00, g01, g10, g11, bad = carry
            ds_ = (d0, d1)
            vs_ = ((w0 * _unpack_lo(g00), w0 * _unpack_lo(g01),
                    w0 * _unpack_hi(g00), w0 * _unpack_hi(g01)),
                   (w1 * _unpack_lo(g10), w1 * _unpack_lo(g11),
                    w1 * _unpack_hi(g10), w1 * _unpack_hi(g11)))

            os_ = [[plsc.load_gather(banks[u][f], [ds_[u]])
                    for f in range(4)] for u in range(2)]

            nxt = fetch_pair(slot, i + 1)

            ms_ = [[jnp.maximum(os_[u][f], vs_[u][f])
                    for f in range(4)] for u in range(2)]
            for f in range(4):
                for u in range(2):
                    plsc.store_scatter(banks[u][f], [ds_[u]], ms_[u][f])

            @pl.when(bad)
            def _fixup():
                for u in range(2):
                    for acc_, v_ in zip(banks[u], vs_[u]):
                        def cond(pending):
                            return jnp.any(pending)

                        def body(pending, acc=acc_, d=ds_[u], v=v_):
                            o = plsc.load_gather(acc, [d])
                            plsc.store_scatter(acc, [d], jnp.maximum(o, v),
                                               mask=pending)
                            chk = plsc.load_gather(acc, [d])
                            return pending & (chk < v)

                        lax.while_loop(cond, body,
                                       jnp.ones((16,), jnp.bool_))

            return nxt

        lax.fori_loop(0, _NVEC // 2, vec_body, fetch_pair(slot, 0))

    def outer(c2, _):
        c = c2 * 2
        for b in range(2):
            wait_chunk(b)

            @pl.when(c + b + 1 < _NCHUNK)
            def _pf():
                start_chunk(c + b + 1, 1 - b)

            process_chunk(c + b, b)
        return 0

    lax.fori_loop(0, _NCHUNK // 2, outer, 0)

    def _merge(i, _):
        for k in range(4):
            sl = pl.ds(i * 16, 16)
            banks[0][k][sl] = jnp.maximum(banks[0][k][sl], banks[1][k][sl])
        return 0

    lax.fori_loop(0, N // 16, _merge, 0)

    rows = (prow, prow + 1, H + prow, H + prow + 1)
    for k in range(4):
        pltpu.sync_copy(banks[0][k], agg_hbm.at[rows[k]])


def _sc_agg(yp, src, dst, w):
    kfn = pl.kernel(
        _sc_agg_body,
        mesh=plsc.VectorSubcoreMesh(core_axis_name="c", subcore_axis_name="s"),
        compiler_params=pltpu.CompilerParams(needs_layout_passes=False),
        out_type=jax.ShapeDtypeStruct((D, N), jnp.float32),
        scratch_types=(
            [pltpu.VMEM((N,), jnp.int32) for _ in range(2)]
            + [pltpu.VMEM((N,), jnp.float32) for _ in range(8)]
            + [pltpu.VMEM((_CHUNK + 32,), jnp.int32),
               pltpu.VMEM((_CHUNK + 32,), jnp.int32),
               pltpu.VMEM((_CHUNK + 32,), jnp.int32),
               pltpu.VMEM((_CHUNK + 32,), jnp.int32),
               pltpu.VMEM((_CHUNK + 32,), jnp.float32),
               pltpu.VMEM((_CHUNK + 32,), jnp.float32),
               pltpu.VMEM((N,), jnp.int32),
               pltpu.VMEM((N,), jnp.int32),
               pltpu.SemaphoreType.DMA((2,))]
        ),
    )
    return kfn(yp, src, dst, w)




def _post_body(p1_ref, agg_ref, wf2_ref, bp_ref, out_ref):
    m = agg_ref[...]
    t = jnp.maximum(m + bp_ref[...], 0.0)
    t = jnp.where(m == NEG_INF, 0.0, t)
    acc = lax.dot_general(t, wf2_ref[...], (((0,), (0,)), ((), ())),
                          preferred_element_type=jnp.float32)
    out_ref[...] = jnp.maximum(p1_ref[...] + acc, 0.0)


def _tc_post(p1, agg_t, wf2, b_pool):
    return pl.pallas_call(
        _post_body,
        out_shape=jax.ShapeDtypeStruct((N, OUT), jnp.float32),
    )(p1, agg_t, wf2, b_pool)




@jax.jit
def kernel(x, edge_index, edge_weight, W_pool, b_pool, W_final, b_final):
    src = edge_index[0]
    dst = edge_index[1]
    wf1 = W_final[:D]
    wf2 = W_final[D:]
    yp, p1 = _tc_pre(x, W_pool, wf1, b_final.reshape(1, OUT))
    agg_t = _sc_agg(yp, src, dst, edge_weight)
    return _tc_post(p1, agg_t, wf2, b_pool.reshape(D, 1))

# --- scband reference (transcript-rebuilt; emitter-appended) ---
"""Pipeline reference for scband-pool-sageconv-23381801960178 (READ-ONLY COPY).

The authoritative reference and input builder live on the scoring server;
editing this copy changes nothing except your own understanding.
"""

import jax, jax.numpy as jnp
import numpy as np

N = 10000
E = 320000
D = 128
OUT = 128


def setup_inputs(seed: int = 0) -> dict:
    key = jax.random.key(seed)
    k1, k2, k3, k4, k5 = jax.random.split(key, 5)
    x = jax.random.normal(k1, (N, D), dtype=jnp.float32)
    edge_index = jax.random.randint(k2, (2, E), 0, N)
    edge_weight = jax.random.uniform(k3, (E,), dtype=jnp.float32)
    W_pool = jax.random.normal(k4, (D, D), dtype=jnp.float32) * (1.0 / np.sqrt(D))
    b_pool = jnp.zeros((D,), dtype=jnp.float32)
    W_final = jax.random.normal(k5, (2 * D, OUT), dtype=jnp.float32) * (1.0 / np.sqrt(2 * D))
    b_final = jnp.zeros((OUT,), dtype=jnp.float32)
    return {"x": x, "edge_index": edge_index, "edge_weight": edge_weight,
            "W_pool": W_pool, "b_pool": b_pool, "W_final": W_final, "b_final": b_final}


def reference(x, edge_index, edge_weight, W_pool, b_pool, W_final, b_final):
    src = edge_index[0]
    dst = edge_index[1]
    # gather source node features, scale by edge weight
    msg = x[src] * edge_weight[:, None]
    # pool linear + relu (per-edge)
    pooled = jax.nn.relu(msg @ W_pool + b_pool)
    # scatter-max aggregation into dst nodes
    agg = jax.ops.segment_max(pooled, dst, num_segments=N)
    # empty segments produce -inf; torch scatter_max with default out fills 0
    agg = jnp.where(jnp.isneginf(agg), 0.0, agg)
    h = jnp.concatenate([x, agg], axis=-1)
    out = jax.nn.relu(h @ W_final + b_final)
    return out

if __name__ == "__main__":
    import jax
    _d = setup_inputs()
    print(jax.jit(kernel)(*tuple(_d.values())))

</pallas_src>

<mosaic_0001>
#map = affine_map<(d0, d1) -> (0, 0)>
#map1 = affine_map<(d0, d1) -> (0)>
module attributes {stable_mosaic.version = 14 : i64} {
  func.func @_sc_agg_body(%arg0: i32, %arg1: i32, %arg2: memref<64x10000xi32, #tpu.memory_space<hbm>>, %arg3: memref<320000xi32, #tpu.memory_space<hbm>>, %arg4: memref<320000xi32, #tpu.memory_space<hbm>>, %arg5: memref<320000xf32, #tpu.memory_space<hbm>>, %arg6: memref<128x10000xf32, #tpu.memory_space<hbm>>, %arg7: memref<10000xi32, #tpu.memory_space<vmem>>, %arg8: memref<10000xi32, #tpu.memory_space<vmem>>, %arg9: memref<10000xf32, #tpu.memory_space<vmem>>, %arg10: memref<10000xf32, #tpu.memory_space<vmem>>, %arg11: memref<10000xf32, #tpu.memory_space<vmem>>, %arg12: memref<10000xf32, #tpu.memory_space<vmem>>, %arg13: memref<10000xf32, #tpu.memory_space<vmem>>, %arg14: memref<10000xf32, #tpu.memory_space<vmem>>, %arg15: memref<10000xf32, #tpu.memory_space<vmem>>, %arg16: memref<10000xf32, #tpu.memory_space<vmem>>, %arg17: memref<832xi32, #tpu.memory_space<vmem>>, %arg18: memref<832xi32, #tpu.memory_space<vmem>>, %arg19: memref<832xi32, #tpu.memory_space<vmem>>, %arg20: memref<832xi32, #tpu.memory_space<vmem>>, %arg21: memref<832xf32, #tpu.memory_space<vmem>>, %arg22: memref<832xf32, #tpu.memory_space<vmem>>, %arg23: memref<10000xi32, #tpu.memory_space<vmem>>, %arg24: memref<10000xi32, #tpu.memory_space<vmem>>, %arg25: memref<2x!tpu.dma_semaphore, #tpu.memory_space<semaphore_mem>>) attributes {dimension_semantics = [#tpu.dimension_semantics<core_parallel>, #tpu.dimension_semantics<subcore_parallel>], iteration_bounds = array<i64: 2, 16>, scalar_prefetch = 0 : i64, scratch_operands = 19 : i64, tpu.core_type = #tpu.core_type<sc_vector_subcore>, window_params = [{transform_indices = #map}, {transform_indices = #map1}, {transform_indices = #map1}, {transform_indices = #map1}, {transform_indices = #map}]} {
    %mul3A = arith.constant 2 : i32
    %mul3A_0 = arith.muli %arg1, %mul3A : i32
    %add3A = arith.addi %mul3A_0, %arg0 : i32
    %mul3A_1 = arith.constant 2 : i32
    %mul3A_2 = arith.muli %add3A, %mul3A_1 : i32
    %dma_start3A = arith.constant 0 : i32
    %dma_start3A_3 = arith.constant 0 : i32
    %dma_start3A_4 = tpu.memref_slice %arg17[%dma_start3A_3] : memref<832xi32, #tpu.memory_space<vmem>> -> memref<800xi32, #tpu.memory_space<vmem>>
    %dma_start3A_5 = arith.constant 0 : i32
    %dma_start3A_6 = tpu.memref_slice %arg3[%dma_start3A_5] : memref<320000xi32, #tpu.memory_space<hbm>> -> memref<800xi32, #tpu.memory_space<hbm>>
    %dma_start3A_7 = tpu.memref_slice %arg25[%dma_start3A] : memref<2x!tpu.dma_semaphore, #tpu.memory_space<semaphore_mem>> -> memref<1x!tpu.dma_semaphore, #tpu.memory_space<semaphore_mem>>
    %dma_start3A_8 = tpu.memref_squeeze %dma_start3A_7 : memref<1x!tpu.dma_semaphore, #tpu.memory_space<semaphore_mem>> -> memref<!tpu.dma_semaphore, #tpu.memory_space<semaphore_mem>>
    %dma_start3A_9 = arith.constant 0 : i32
    %dma_start3A_10 = tpu.memref_slice %arg17[%dma_start3A_9] : memref<832xi32, #tpu.memory_space<vmem>> -> memref<800xi32, #tpu.memory_space<vmem>>
    %dma_start3A_11 = arith.constant 0 : i32
    %dma_start3A_12 = tpu.memref_slice %arg3[%dma_start3A_11] : memref<320000xi32, #tpu.memory_space<hbm>> -> memref<800xi32, #tpu.memory_space<hbm>>
    tpu.enqueue_dma source(%dma_start3A_12 : memref<800xi32, #tpu.memory_space<hbm>>) target(%dma_start3A_10 : memref<800xi32, #tpu.memory_space<vmem>>) target_semaphore(%dma_start3A_8 : memref<!tpu.dma_semaphore, #tpu.memory_space<semaphore_mem>>)
    %dma_start3A_13 = arith.constant 0 : i32
    %dma_start3A_14 = arith.constant 0 : i32
    %dma_start3A_15 = tpu.memref_slice %arg19[%dma_start3A_14] : memref<832xi32, #tpu.memory_space<vmem>> -> memref<800xi32, #tpu.memory_space<vmem>>
    %dma_start3A_16 = arith.constant 0 : i32
    %dma_start3A_17 = tpu.memref_slice %arg4[%dma_start3A_16] : memref<320000xi32, #tpu.memory_space<hbm>> -> memref<800xi32, #tpu.memory_space<hbm>>
    %dma_start3A_18 = tpu.memref_slice %arg25[%dma_start3A_13] : memref<2x!tpu.dma_semaphore, #tpu.memory_space<semaphore_mem>> -> memref<1x!tpu.dma_semaphore, #tpu.memory_space<semaphore_mem>>
    %dma_start3A_19 = tpu.memref_squeeze %dma_start3A_18 : memref<1x!tpu.dma_semaphore, #tpu.memory_space<semaphore_mem>> -> memref<!tpu.dma_semaphore, #tpu.memory_space<semaphore_mem>>
    %dma_start3A_20 = arith.constant 0 : i32
    %dma_start3A_21 = tpu.memref_slice %arg19[%dma_start3A_20] : memref<832xi32, #tpu.memory_space<vmem>> -> memref<800xi32, #tpu.memory_space<vmem>>
    %dma_start3A_22 = arith.constant 0 : i32
    %dma_start3A_23 = tpu.memref_slice %arg4[%dma_start3A_22] : memref<320000xi32, #tpu.memory_space<hbm>> -> memref<800xi32, #tpu.memory_space<hbm>>
    tpu.enqueue_dma source(%dma_start3A_23 : memref<800xi32, #tpu.memory_space<hbm>>) target(%dma_start3A_21 : memref<800xi32, #tpu.memory_space<vmem>>) target_semaphore(%dma_start3A_19 : memref<!tpu.dma_semaphore, #tpu.memory_space<semaphore_mem>>)
    %dma_start3A_24 = arith.constant 0 : i32
    %dma_start3A_25 = arith.constant 0 : i32
    %dma_start3A_26 = tpu.memref_slice %arg21[%dma_start3A_25] : memref<832xf32, #tpu.memory_space<vmem>> -> memref<800xf32, #tpu.memory_space<vmem>>
    %dma_start3A_27 = arith.constant 0 : i32
    %dma_start3A_28 = tpu.memref_slice %arg5[%dma_start3A_27] : memref<320000xf32, #tpu.memory_space<hbm>> -> memref<800xf32, #tpu.memory_space<hbm>>
    %dma_start3A_29 = tpu.memref_slice %arg25[%dma_start3A_24] : memref<2x!tpu.dma_semaphore, #tpu.memory_space<semaphore_mem>> -> memref<1x!tpu.dma_semaphore, #tpu.memory_space<semaphore_mem>>
    %dma_start3A_30 = tpu.memref_squeeze %dma_start3A_29 : memref<1x!tpu.dma_semaphore, #tpu.memory_space<semaphore_mem>> -> memref<!tpu.dma_semaphore, #tpu.memory_space<semaphore_mem>>
    %dma_start3A_31 = arith.constant 0 : i32
    %dma_start3A_32 = tpu.memref_slice %arg21[%dma_start3A_31] : memref<832xf32, #tpu.memory_space<vmem>> -> memref<800xf32, #tpu.memory_space<vmem>>
    %dma_start3A_33 = arith.constant 0 : i32
    %dma_start3A_34 = tpu.memref_slice %arg5[%dma_start3A_33] : memref<320000xf32, #tpu.memory_space<hbm>> -> memref<800xf32, #tpu.memory_space<hbm>>
    tpu.enqueue_dma source(%dma_start3A_34 : memref<800xf32, #tpu.memory_space<hbm>>) target(%dma_start3A_32 : memref<800xf32, #tpu.memory_space<vmem>>) target_semaphore(%dma_start3A_30 : memref<!tpu.dma_semaphore, #tpu.memory_space<semaphore_mem>>)
    "tpu.region"() ({
      %run_scoped3A = tpu.sem_alloc : memref<!tpu.dma_semaphore, #tpu.memory_space<semaphore_mem>>
      %dma_start3A_93 = arith.constant 0 : i32
      %dma_start3A_94 = tpu.memref_slice %arg2[%mul3A_2, %dma_start3A_93] : memref<64x10000xi32, #tpu.memory_space<hbm>> -> memref<1x10000xi32, #tpu.memory_space<hbm>>
      %dma_start3A_95 = tpu.memref_squeeze %dma_start3A_94 : memref<1x10000xi32, #tpu.memory_space<hbm>> -> memref<10000xi32, #tpu.memory_space<hbm>>
      %dma_start3A_96 = arith.constant 0 : i32
      %dma_start3A_97 = tpu.memref_slice %arg2[%mul3A_2, %dma_start3A_96] : memref<64x10000xi32, #tpu.memory_space<hbm>> -> memref<1x10000xi32, #tpu.memory_space<hbm>>
      %dma_start3A_98 = tpu.memref_squeeze %dma_start3A_97 : memref<1x10000xi32, #tpu.memory_space<hbm>> -> memref<10000xi32, #tpu.memory_space<hbm>>
      tpu.enqueue_dma source(%dma_start3A_98 : memref<10000xi32, #tpu.memory_space<hbm>>) target(%arg7 : memref<10000xi32, #tpu.memory_space<vmem>>) target_semaphore(%run_scoped3A : memref<!tpu.dma_semaphore, #tpu.memory_space<semaphore_mem>>)
      %dma_wait3A = arith.constant 0 : i32
      %dma_wait3A_99 = tpu.memref_slice %arg2[%mul3A_2, %dma_wait3A] : memref<64x10000xi32, #tpu.memory_space<hbm>> -> memref<1x10000xi32, #tpu.memory_space<hbm>>
      %dma_wait3A_100 = tpu.memref_squeeze %dma_wait3A_99 : memref<1x10000xi32, #tpu.memory_space<hbm>> -> memref<10000xi32, #tpu.memory_space<hbm>>
      %dma_wait3A_101 = arith.constant 0 : i32
      %dma_wait3A_102 = tpu.memref_slice %arg2[%mul3A_2, %dma_wait3A_101] : memref<64x10000xi32, #tpu.memory_space<hbm>> -> memref<1x10000xi32, #tpu.memory_space<hbm>>
      %dma_wait3A_103 = tpu.memref_squeeze %dma_wait3A_102 : memref<1x10000xi32, #tpu.memory_space<hbm>> -> memref<10000xi32, #tpu.memory_space<hbm>>
      tpu.wait_dma2 semaphore(%run_scoped3A : memref<!tpu.dma_semaphore, #tpu.memory_space<semaphore_mem>>) src(%dma_wait3A_103 : memref<10000xi32, #tpu.memory_space<hbm>>) dst(%arg7 : memref<10000xi32, #tpu.memory_space<vmem>>)
      tpu.yield
    }) : () -> ()
    %add3A_35 = arith.constant 1 : i32
    %add3A_36 = arith.addi %mul3A_2, %add3A_35 : i32
    "tpu.region"() ({
      %run_scoped3A = tpu.sem_alloc : memref<!tpu.dma_semaphore, #tpu.memory_space<semaphore_mem>>
      %dma_start3A_93 = arith.constant 0 : i32
      %dma_start3A_94 = tpu.memref_slice %arg2[%add3A_36, %dma_start3A_93] : memref<64x10000xi32, #tpu.memory_space<hbm>> -> memref<1x10000xi32, #tpu.memory_space<hbm>>
      %dma_start3A_95 = tpu.memref_squeeze %dma_start3A_94 : memref<1x10000xi32, #tpu.memory_space<hbm>> -> memref<10000xi32, #tpu.memory_space<hbm>>
      %dma_start3A_96 = arith.constant 0 : i32
      %dma_start3A_97 = tpu.memref_slice %arg2[%add3A_36, %dma_start3A_96] : memref<64x10000xi32, #tpu.memory_space<hbm>> -> memref<1x10000xi32, #tpu.memory_space<hbm>>
      %dma_start3A_98 = tpu.memref_squeeze %dma_start3A_97 : memref<1x10000xi32, #tpu.memory_space<hbm>> -> memref<10000xi32, #tpu.memory_space<hbm>>
      tpu.enqueue_dma source(%dma_start3A_98 : memref<10000xi32, #tpu.memory_space<hbm>>) target(%arg8 : memref<10000xi32, #tpu.memory_space<vmem>>) target_semaphore(%run_scoped3A : memref<!tpu.dma_semaphore, #tpu.memory_space<semaphore_mem>>)
      %dma_wait3A = arith.constant 0 : i32
      %dma_wait3A_99 = tpu.memref_slice %arg2[%add3A_36, %dma_wait3A] : memref<64x10000xi32, #tpu.memory_space<hbm>> -> memref<1x10000xi32, #tpu.memory_space<hbm>>
      %dma_wait3A_100 = tpu.memref_squeeze %dma_wait3A_99 : memref<1x10000xi32, #tpu.memory_space<hbm>> -> memref<10000xi32, #tpu.memory_space<hbm>>
      %dma_wait3A_101 = arith.constant 0 : i32
      %dma_wait3A_102 = tpu.memref_slice %arg2[%add3A_36, %dma_wait3A_101] : memref<64x10000xi32, #tpu.memory_space<hbm>> -> memref<1x10000xi32, #tpu.memory_space<hbm>>
      %dma_wait3A_103 = tpu.memref_squeeze %dma_wait3A_102 : memref<1x10000xi32, #tpu.memory_space<hbm>> -> memref<10000xi32, #tpu.memory_space<hbm>>
      tpu.wait_dma2 semaphore(%run_scoped3A : memref<!tpu.dma_semaphore, #tpu.memory_space<semaphore_mem>>) src(%dma_wait3A_103 : memref<10000xi32, #tpu.memory_space<hbm>>) dst(%arg8 : memref<10000xi32, #tpu.memory_space<vmem>>)
      tpu.yield
    }) : () -> ()
    %broadcast_in_dim3A = arith.constant 0xFF800000 : f32
    %broadcast_in_dim3A_37 = vector.broadcast %broadcast_in_dim3A : f32 to vector<16xf32>
    %scan3A = arith.constant 0 : i32
    %scan3A_38 = arith.constant 0 : i32
    %scan3A_39 = arith.constant 625 : i32
    %scan3A_40 = arith.addi %scan3A_38, %scan3A_39 : i32
    %scan3A_41 = arith.constant 1 : i32
    %scan3A_42 = scf.for %scan3A_93 = %scan3A_38 to %scan3A_40 step %scan3A_41 iter_args(%scan3A_94 = %scan3A) -> (i32)  : i32 {
      %mul3A_95 = arith.constant 16 : i32
      %mul3A_96 = arith.muli %scan3A_93, %mul3A_95 : i32
      %swap3A_97 = arith.index_cast %mul3A_96 : i32 to index
      %swap3A_98 = tpu.vector_load %arg9[%swap3A_97] {strides = array<i32>} : memref<10000xf32, #tpu.memory_space<vmem>>, vector<16xf32>,
      tpu.vector_store %arg9[%swap3A_97], %broadcast_in_dim3A_37 {strides = array<i32>} : memref<10000xf32, #tpu.memory_space<vmem>>, vector<16xf32>,
      %mul3A_99 = arith.constant 16 : i32
      %mul3A_100 = arith.muli %scan3A_93, %mul3A_99 : i32
      %swap3A_101 = arith.index_cast %mul3A_100 : i32 to index
      %swap3A_102 = tpu.vector_load %arg10[%swap3A_101] {strides = array<i32>} : memref<10000xf32, #tpu.memory_space<vmem>>, vector<16xf32>,
      tpu.vector_store %arg10[%swap3A_101], %broadcast_in_dim3A_37 {strides = array<i32>} : memref<10000xf32, #tpu.memory_space<vmem>>, vector<16xf32>,
      %mul3A_103 = arith.constant 16 : i32
      %mul3A_104 = arith.muli %scan3A_93, %mul3A_103 : i32
      %swap3A_105 = arith.index_cast %mul3A_104 : i32 to index
      %swap3A_106 = tpu.vector_load %arg11[%swap3A_105] {strides = array<i32>} : memref<10000xf32, #tpu.memory_space<vmem>>, vector<16xf32>,
      tpu.vector_store %arg11[%swap3A_105], %broadcast_in_dim3A_37 {strides = array<i32>} : memref<10000xf32, #tpu.memory_space<vmem>>, vector<16xf32>,
      %mul3A_107 = arith.constant 16 : i32
      %mul3A_108 = arith.muli %scan3A_93, %mul3A_107 : i32
      %swap3A_109 = arith.index_cast %mul3A_108 : i32 to index
      %swap3A_110 = tpu.vector_load %arg12[%swap3A_109] {strides = array<i32>} : memref<10000xf32, #tpu.memory_space<vmem>>, vector<16xf32>,
      tpu.vector_store %arg12[%swap3A_109], %broadcast_in_dim3A_37 {strides = array<i32>} : memref<10000xf32, #tpu.memory_space<vmem>>, vector<16xf32>,
      %mul3A_111 = arith.constant 16 : i32
      %mul3A_112 = arith.muli %scan3A_93, %mul3A_111 : i32
      %swap3A_113 = arith.index_cast %mul3A_112 : i32 to index
      %swap3A_114 = tpu.vector_load %arg13[%swap3A_113] {strides = array<i32>} : memref<10000xf32, #tpu.memory_space<vmem>>, vector<16xf32>,
      tpu.vector_store %arg13[%swap3A_113], %broadcast_in_dim3A_37 {strides = array<i32>} : memref<10000xf32, #tpu.memory_space<vmem>>, vector<16xf32>,
      %mul3A_115 = arith.constant 16 : i32
      %mul3A_116 = arith.muli %scan3A_93, %mul3A_115 : i32
      %swap3A_117 = arith.index_cast %mul3A_116 : i32 to index
      %swap3A_118 = tpu.vector_load %arg14[%swap3A_117] {strides = array<i32>} : memref<10000xf32, #tpu.memory_space<vmem>>, vector<16xf32>,
      tpu.vector_store %arg14[%swap3A_117], %broadcast_in_dim3A_37 {strides = array<i32>} : memref<10000xf32, #tpu.memory_space<vmem>>, vector<16xf32>,
      %mul3A_119 = arith.constant 16 : i32
      %mul3A_120 = arith.muli %scan3A_93, %mul3A_119 : i32
      %swap3A_121 = arith.index_cast %mul3A_120 : i32 to index
      %swap3A_122 = tpu.vector_load %arg15[%swap3A_121] {strides = array<i32>} : memref<10000xf32, #tpu.memory_space<vmem>>, vector<16xf32>,
      tpu.vector_store %arg15[%swap3A_121], %broadcast_in_dim3A_37 {strides = array<i32>} : memref<10000xf32, #tpu.memory_space<vmem>>, vector<16xf32>,
      %mul3A_123 = arith.constant 16 : i32
      %mul3A_124 = arith.muli %scan3A_93, %mul3A_123 : i32
      %swap3A_125 = arith.index_cast %mul3A_124 : i32 to index
      %swap3A_126 = tpu.vector_load %arg16[%swap3A_125] {strides = array<i32>} : memref<10000xf32, #tpu.memory_space<vmem>>, vector<16xf32>,
      tpu.vector_store %arg16[%swap3A_125], %broadcast_in_dim3A_37 {strides = array<i32>} : memref<10000xf32, #tpu.memory_space<vmem>>, vector<16xf32>,
      %scan3A_127 = arith.constant 0 : i32
      scf.yield %scan3A_127 : i32
    }
    %scan3A_43 = arith.constant 625 : i32
    %broadcast_in_dim3A_44 = arith.constant 0 : i32
    %broadcast_in_dim3A_45 = vector.broadcast %broadcast_in_dim3A_44 : i32 to vector<16xi32>
    %broadcast_in_dim3A_46 = arith.constant 0.000000e+00 : f32
    %broadcast_in_dim3A_47 = vector.broadcast %broadcast_in_dim3A_46 : f32 to vector<16xf32>
    %swap3A = arith.constant 800 : index
    %swap3A_48 = tpu.vector_load %arg17[%swap3A] {strides = array<i32>} : memref<832xi32, #tpu.memory_space<vmem>>, vector<16xi32>,
    tpu.vector_store %arg17[%swap3A], %broadcast_in_dim3A_45 {strides = array<i32>} : memref<832xi32, #tpu.memory_space<vmem>>, vector<16xi32>,
    %swap3A_49 = arith.constant 800 : index
    %swap3A_50 = tpu.vector_load %arg19[%swap3A_49] {strides = array<i32>} : memref<832xi32, #tpu.memory_space<vmem>>, vector<16xi32>,
    tpu.vector_store %arg19[%swap3A_49], %broadcast_in_dim3A_45 {strides = array<i32>} : memref<832xi32, #tpu.memory_space<vmem>>, vector<16xi32>,
    %swap3A_51 = arith.constant 800 : index
    %swap3A_52 = tpu.vector_load %arg21[%swap3A_51] {strides = array<i32>} : memref<832xf32, #tpu.memory_space<vmem>>, vector<16xf32>,
    tpu.vector_store %arg21[%swap3A_51], %broadcast_in_dim3A_47 {strides = array<i32>} : memref<832xf32, #tpu.memory_space<vmem>>, vector<16xf32>,
    %swap3A_53 = arith.constant 816 : index
    %swap3A_54 = tpu.vector_load %arg17[%swap3A_53] {strides = array<i32>} : memref<832xi32, #tpu.memory_space<vmem>>, vector<16xi32>,
    tpu.vector_store %arg17[%swap3A_53], %broadcast_in_dim3A_45 {strides = array<i32>} : memref<832xi32, #tpu.memory_space<vmem>>, vector<16xi32>,
    %swap3A_55 = arith.constant 816 : index
    %swap3A_56 = tpu.vector_load %arg19[%swap3A_55] {strides = array<i32>} : memref<832xi32, #tpu.memory_space<vmem>>, vector<16xi32>,
    tpu.vector_store %arg19[%swap3A_55], %broadcast_in_dim3A_45 {strides = array<i32>} : memref<832xi32, #tpu.memory_space<vmem>>, vector<16xi32>,
    %swap3A_57 = arith.constant 816 : index
    %swap3A_58 = tpu.vector_load %arg21[%swap3A_57] {strides = array<i32>} : memref<832xf32, #tpu.memory_space<vmem>>, vector<16xf32>,
    tpu.vector_store %arg21[%swap3A_57], %broadcast_in_dim3A_47 {strides = array<i32>} : memref<832xf32, #tpu.memory_space<vmem>>, vector<16xf32>,
    %swap3A_59 = arith.constant 800 : index
    %swap3A_60 = tpu.vector_load %arg18[%swap3A_59] {strides = array<i32>} : memref<832xi32, #tpu.memory_space<vmem>>, vector<16xi32>,
    tpu.vector_store %arg18[%swap3A_59], %broadcast_in_dim3A_45 {strides = array<i32>} : memref<832xi32, #tpu.memory_space<vmem>>, vector<16xi32>,
    %swap3A_61 = arith.constant 800 : index
    %swap3A_62 = tpu.vector_load %arg20[%swap3A_61] {strides = array<i32>} : memref<832xi32, #tpu.memory_space<vmem>>, vector<16xi32>,
    tpu.vector_store %arg20[%swap3A_61], %broadcast_in_dim3A_45 {strides = array<i32>} : memref<832xi32, #tpu.memory_space<vmem>>, vector<16xi32>,
    %swap3A_63 = arith.constant 800 : index
    %swap3A_64 = tpu.vector_load %arg22[%swap3A_63] {strides = array<i32>} : memref<832xf32, #tpu.memory_space<vmem>>, vector<16xf32>,
    tpu.vector_store %arg22[%swap3A_63], %broadcast_in_dim3A_47 {strides = array<i32>} : memref<832xf32, #tpu.memory_space<vmem>>, vector<16xf32>,
    %swap3A_65 = arith.constant 816 : index
    %swap3A_66 = tpu.vector_load %arg18[%swap3A_65] {strides = array<i32>} : memref<832xi32, #tpu.memory_space<vmem>>, vector<16xi32>,
    tpu.vector_store %arg18[%swap3A_65], %broadcast_in_dim3A_45 {strides = array<i32>} : memref<832xi32, #tpu.memory_space<vmem>>, vector<16xi32>,
    %swap3A_67 = arith.constant 816 : index
    %swap3A_68 = tpu.vector_load %arg20[%swap3A_67] {strides = array<i32>} : memref<832xi32, #tpu.memory_space<vmem>>, vector<16xi32>,
    tpu.vector_store %arg20[%swap3A_67], %broadcast_in_dim3A_45 {strides = array<i32>} : memref<832xi32, #tpu.memory_space<vmem>>, vector<16xi32>,
    %swap3A_69 = arith.constant 816 : index
    %swap3A_70 = tpu.vector_load %arg22[%swap3A_69] {strides = array<i32>} : memref<832xf32, #tpu.memory_space<vmem>>, vector<16xf32>,
    tpu.vector_store %arg22[%swap3A_69], %broadcast_in_dim3A_47 {strides = array<i32>} : memref<832xf32, #tpu.memory_space<vmem>>, vector<16xf32>,
    %iota3A = tpu.iota {dimensions = array<i32: 0>} : vector<16xi32>
    %scan3A_71 = arith.constant 0 : i32
    %scan3A_72 = arith.constant 0 : i32
    %scan3A_73 = arith.constant 200 : i32
    %scan3A_74 = arith.addi %scan3A_72, %scan3A_73 : i32
    %scan3A_75 = arith.constant 1 : i32
    %scan3A_76 = scf.for %scan3A_93 = %scan3A_72 to %scan3A_74 step %scan3A_75 iter_args(%scan3A_94 = %scan3A_71) -> (i32)  : i32 {
      %mul3A_95 = arith.constant 2 : i32
      %mul3A_96 = arith.muli %scan3A_93, %mul3A_95 : i32
      %dma_wait3A = arith.constant 0 : i32
      %dma_wait3A_97 = arith.constant 0 : i32
      %dma_wait3A_98 = tpu.memref_slice %arg17[%dma_wait3A_97] : memref<832xi32, #tpu.memory_space<vmem>> -> memref<800xi32, #tpu.memory_space<vmem>>
      %dma_wait3A_99 = arith.constant 0 : i32
      %dma_wait3A_100 = tpu.memref_slice %arg3[%dma_wait3A_99] : memref<320000xi32, #tpu.memory_space<hbm>> -> memref<800xi32, #tpu.memory_space<hbm>>
      %dma_wait3A_101 = tpu.memref_slice %arg25[%dma_wait3A] : memref<2x!tpu.dma_semaphore, #tpu.memory_space<semaphore_mem>> -> memref<1x!tpu.dma_semaphore, #tpu.memory_space<semaphore_mem>>
      %dma_wait3A_102 = tpu.memref_squeeze %dma_wait3A_101 : memref<1x!tpu.dma_semaphore, #tpu.memory_space<semaphore_mem>> -> memref<!tpu.dma_semaphore, #tpu.memory_space<semaphore_mem>>
      %dma_wait3A_103 = arith.constant 0 : i32
      %dma_wait3A_104 = tpu.memref_slice %arg17[%dma_wait3A_103] : memref<832xi32, #tpu.memory_space<vmem>> -> memref<800xi32, #tpu.memory_space<vmem>>
      %dma_wait3A_105 = arith.constant 0 : i32
      %dma_wait3A_106 = tpu.memref_slice %arg3[%dma_wait3A_105] : memref<320000xi32, #tpu.memory_space<hbm>> -> memref<800xi32, #tpu.memory_space<hbm>>
      tpu.wait_dma2 semaphore(%dma_wait3A_102 : memref<!tpu.dma_semaphore, #tpu.memory_space<semaphore_mem>>) src(%dma_wait3A_106 : memref<800xi32, #tpu.memory_space<hbm>>) dst(%dma_wait3A_104 : memref<800xi32, #tpu.memory_space<vmem>>)
      %dma_wait3A_107 = arith.constant 0 : i32
      %dma_wait3A_108 = arith.constant 0 : i32
      %dma_wait3A_109 = tpu.memref_slice %arg19[%dma_wait3A_108] : memref<832xi32, #tpu.memory_space<vmem>> -> memref<800xi32, #tpu.memory_space<vmem>>
      %dma_wait3A_110 = arith.constant 0 : i32
      %dma_wait3A_111 = tpu.memref_slice %arg4[%dma_wait3A_110] : memref<320000xi32, #tpu.memory_space<hbm>> -> memref<800xi32, #tpu.memory_space<hbm>>
      %dma_wait3A_112 = tpu.memref_slice %arg25[%dma_wait3A_107] : memref<2x!tpu.dma_semaphore, #tpu.memory_space<semaphore_mem>> -> memref<1x!tpu.dma_semaphore, #tpu.memory_space<semaphore_mem>>
      %dma_wait3A_113 = tpu.memref_squeeze %dma_wait3A_112 : memref<1x!tpu.dma_semaphore, #tpu.memory_space<semaphore_mem>> -> memref<!tpu.dma_semaphore, #tpu.memory_space<semaphore_mem>>
      %dma_wait3A_114 = arith.constant 0 : i32
      %dma_wait3A_115 = tpu.memref_slice %arg19[%dma_wait3A_114] : memref<832xi32, #tpu.memory_space<vmem>> -> memref<800xi32, #tpu.memory_space<vmem>>
      %dma_wait3A_116 = arith.constant 0 : i32
      %dma_wait3A_117 = tpu.memref_slice %arg4[%dma_wait3A_116] : memref<320000xi32, #tpu.memory_space<hbm>> -> memref<800xi32, #tpu.memory_space<hbm>>
      tpu.wait_dma2 semaphore(%dma_wait3A_113 : memref<!tpu.dma_semaphore, #tpu.memory_space<semaphore_mem>>) src(%dma_wait3A_117 : memref<800xi32, #tpu.memory_space<hbm>>) dst(%dma_wait3A_115 : memref<800xi32, #tpu.memory_space<vmem>>)
      %dma_wait3A_118 = arith.constant 0 : i32
      %dma_wait3A_119 = arith.constant 0 : i32
      %dma_wait3A_120 = tpu.memref_slice %arg21[%dma_wait3A_119] : memref<832xf32, #tpu.memory_space<vmem>> -> memref<800xf32, #tpu.memory_space<vmem>>
      %dma_wait3A_121 = arith.constant 0 : i32
      %dma_wait3A_122 = tpu.memref_slice %arg5[%dma_wait3A_121] : memref<320000xf32, #tpu.memory_space<hbm>> -> memref<800xf32, #tpu.memory_space<hbm>>
      %dma_wait3A_123 = tpu.memref_slice %arg25[%dma_wait3A_118] : memref<2x!tpu.dma_semaphore, #tpu.memory_space<semaphore_mem>> -> memref<1x!tpu.dma_semaphore, #tpu.memory_space<semaphore_mem>>
      %dma_wait3A_124 = tpu.memref_squeeze %dma_wait3A_123 : memref<1x!tpu.dma_semaphore, #tpu.memory_space<semaphore_mem>> -> memref<!tpu.dma_semaphore, #tpu.memory_space<semaphore_mem>>
      %dma_wait3A_125 = arith.constant 0 : i32
      %dma_wait3A_126 = tpu.memref_slice %arg21[%dma_wait3A_125] : memref<832xf32, #tpu.memory_space<vmem>> -> memref<800xf32, #tpu.memory_space<vmem>>
      %dma_wait3A_127 = arith.constant 0 : i32
      %dma_wait3A_128 = tpu.memref_slice %arg5[%dma_wait3A_127] : memref<320000xf32, #tpu.memory_space<hbm>> -> memref<800xf32, #tpu.memory_space<hbm>>
      tpu.wait_dma2 semaphore(%dma_wait3A_124 : memref<!tpu.dma_semaphore, #tpu.memory_space<semaphore_mem>>) src(%dma_wait3A_128 : memref<800xf32, #tpu.memory_space<hbm>>) dst(%dma_wait3A_126 : memref<800xf32, #tpu.memory_space<vmem>>)
      %add3A_129 = arith.constant 0 : i32
      %add3A_130 = arith.addi %mul3A_96, %add3A_129 : i32
      %add3A_131 = arith.constant 1 : i32
      %add3A_132 = arith.addi %add3A_130, %add3A_131 : i32
      %lt3A = arith.constant 400 : i32
      %lt3A_133 = arith.cmpi slt, %add3A_132, %lt3A : i32
      %convert_element_type3A = arith.extui %lt3A_133 : i1 to i32
      %cond3A = arith.constant 0 : i32
      %cond3A_134 = arith.cmpi ne, %convert_element_type3A, %cond3A : i32
      scf.if %cond3A_134 {
        %add3A_238 = arith.constant 0 : i32
        %add3A_239 = arith.addi %mul3A_96, %add3A_238 : i32
        %add3A_240 = arith.constant 1 : i32
        %add3A_241 = arith.addi %add3A_239, %add3A_240 : i32
        %mul3A_242 = arith.constant 800 : i32
        %mul3A_243 = arith.muli %add3A_241, %mul3A_242 : i32
        %dma_start3A_244 = arith.constant 1 : i32
        %dma_start3A_245 = arith.constant 0 : i32
        %dma_start3A_246 = tpu.memref_slice %arg18[%dma_start3A_245] : memref<832xi32, #tpu.memory_space<vmem>> -> memref<800xi32, #tpu.memory_space<vmem>>
        %dma_start3A_247 = tpu.memref_slice %arg3[%mul3A_243] : memref<320000xi32, #tpu.memory_space<hbm>> -> memref<800xi32, #tpu.memory_space<hbm>>
        %dma_start3A_248 = tpu.memref_slice %arg25[%dma_start3A_244] : memref<2x!tpu.dma_semaphore, #tpu.memory_space<semaphore_mem>> -> memref<1x!tpu.dma_semaphore, #tpu.memory_space<semaphore_mem>>
        %dma_start3A_249 = tpu.memref_squeeze %dma_start3A_248 : memref<1x!tpu.dma_semaphore, #tpu.memory_space<semaphore_mem>> -> memref<!tpu.dma_semaphore, #tpu.memory_space<semaphore_mem>>
        %dma_start3A_250 = arith.constant 0 : i32
        %dma_start3A_251 = tpu.memref_slice %arg18[%dma_start3A_250] : memref<832xi32, #tpu.memory_space<vmem>> -> memref<800xi32, #tpu.memory_space<vmem>>
        %dma_start3A_252 = tpu.memref_slice %arg3[%mul3A_243] : memref<320000xi32, #tpu.memory_space<hbm>> -> memref<800xi32, #tpu.memory_space<hbm>>
        tpu.enqueue_dma source(%dma_start3A_252 : memref<800xi32, #tpu.memory_space<hbm>>) target(%dma_start3A_251 : memref<800xi32, #tpu.memory_space<vmem>>) target_semaphore(%dma_start3A_249 : memref<!tpu.dma_semaphore, #tpu.memory_space<semaphore_mem>>)
        %dma_start3A_253 = arith.constant 1 : i32
        %dma_start3A_254 = arith.constant 0 : i32
        %dma_start3A_255 = tpu.memref_slice %arg20[%dma_start3A_254] : memref<832xi32, #tpu.memory_space<vmem>> -> memref<800xi32, #tpu.memory_space<vmem>>
        %dma_start3A_256 = tpu.memref_slice %arg4[%mul3A_243] : memref<320000xi32, #tpu.memory_space<hbm>> -> memref<800xi32, #tpu.memory_space<hbm>>
        %dma_start3A_257 = tpu.memref_slice %arg25[%dma_start3A_253] : memref<2x!tpu.dma_semaphore, #tpu.memory_space<semaphore_mem>> -> memref<1x!tpu.dma_semaphore, #tpu.memory_space<semaphore_mem>>
        %dma_start3A_258 = tpu.memref_squeeze %dma_start3A_257 : memref<1x!tpu.dma_semaphore, #tpu.memory_space<semaphore_mem>> -> memref<!tpu.dma_semaphore, #tpu.memory_space<semaphore_mem>>
        %dma_start3A_259 = arith.constant 0 : i32
        %dma_start3A_260 = tpu.memref_slice %arg20[%dma_start3A_259] : memref<832xi32, #tpu.memory_space<vmem>> -> memref<800xi32, #tpu.memory_space<vmem>>
        %dma_start3A_261 = tpu.memref_slice %arg4[%mul3A_243] : memref<320000xi32, #tpu.memory_space<hbm>> -> memref<800xi32, #tpu.memory_space<hbm>>
        tpu.enqueue_dma source(%dma_start3A_261 : memref<800xi32, #tpu.memory_space<hbm>>) target(%dma_start3A_260 : memref<800xi32, #tpu.memory_space<vmem>>) target_semaphore(%dma_start3A_258 : memref<!tpu.dma_semaphore, #tpu.memory_space<semaphore_mem>>)
        %dma_start3A_262 = arith.constant 1 : i32
        %dma_start3A_263 = arith.constant 0 : i32
        %dma_start3A_264 = tpu.memref_slice %arg22[%dma_start3A_263] : memref<832xf32, #tpu.memory_space<vmem>> -> memref<800xf32, #tpu.memory_space<vmem>>
        %dma_start3A_265 = tpu.memref_slice %arg5[%mul3A_243] : memref<320000xf32, #tpu.memory_space<hbm>> -> memref<800xf32, #tpu.memory_space<hbm>>
        %dma_start3A_266 = tpu.memref_slice %arg25[%dma_start3A_262] : memref<2x!tpu.dma_semaphore, #tpu.memory_space<semaphore_mem>> -> memref<1x!tpu.dma_semaphore, #tpu.memory_space<semaphore_mem>>
        %dma_start3A_267 = tpu.memref_squeeze %dma_start3A_266 : memref<1x!tpu.dma_semaphore, #tpu.memory_space<semaphore_mem>> -> memref<!tpu.dma_semaphore, #tpu.memory_space<semaphore_mem>>
        %dma_start3A_268 = arith.constant 0 : i32
        %dma_start3A_269 = tpu.memref_slice %arg22[%dma_start3A_268] : memref<832xf32, #tpu.memory_space<vmem>> -> memref<800xf32, #tpu.memory_space<vmem>>
        %dma_start3A_270 = tpu.memref_slice %arg5[%mul3A_243] : memref<320000xf32, #tpu.memory_space<hbm>> -> memref<800xf32, #tpu.memory_space<hbm>>
        tpu.enqueue_dma source(%dma_start3A_270 : memref<800xf32, #tpu.memory_space<hbm>>) target(%dma_start3A_269 : memref<800xf32, #tpu.memory_space<vmem>>) target_semaphore(%dma_start3A_267 : memref<!tpu.dma_semaphore, #tpu.memory_space<semaphore_mem>>)
      } else {
      }
      %add3A_135 = arith.constant 0 : i32
      %add3A_136 = arith.addi %mul3A_96, %add3A_135 : i32
      %get3A = arith.constant 0 : index
      %get3A_137 = tpu.vector_load %arg17[%get3A] {strides = array<i32>} : memref<832xi32, #tpu.memory_space<vmem>>, vector<16xi32>,
      %get3A_138 = arith.constant 0 : index
      %get3A_139 = tpu.vector_load %arg19[%get3A_138] {strides = array<i32>} : memref<832xi32, #tpu.memory_space<vmem>>, vector<16xi32>,
      %get3A_140 = arith.constant 0 : index
      %get3A_141 = tpu.vector_load %arg21[%get3A_140] {strides = array<i32>} : memref<832xf32, #tpu.memory_space<vmem>>, vector<16xf32>,
      %get3A_142 = arith.constant 16 : index
      %get3A_143 = tpu.vector_load %arg17[%get3A_142] {strides = array<i32>} : memref<832xi32, #tpu.memory_space<vmem>>, vector<16xi32>,
      %get3A_144 = arith.constant 16 : index
      %get3A_145 = tpu.vector_load %arg19[%get3A_144] {strides = array<i32>} : memref<832xi32, #tpu.memory_space<vmem>>, vector<16xi32>,
      %get3A_146 = arith.constant 16 : index
      %get3A_147 = tpu.vector_load %arg21[%get3A_146] {strides = array<i32>} : memref<832xf32, #tpu.memory_space<vmem>>, vector<16xf32>,
      tpu.vector_store_idx %arg23[%get3A_139], %iota3A : memref<10000xi32, #tpu.memory_space<vmem>>[vector<16xi32>], vector<16xi32>,
      %gather3A = tpu.vector_load_idx %arg23[%get3A_139] : memref<10000xi32, #tpu.memory_space<vmem>>[vector<16xi32>], vector<16xi32>,
      tpu.vector_store_idx %arg24[%get3A_145], %iota3A : memref<10000xi32, #tpu.memory_space<vmem>>[vector<16xi32>], vector<16xi32>,
      %gather3A_148 = tpu.vector_load_idx %arg24[%get3A_145] : memref<10000xi32, #tpu.memory_space<vmem>>[vector<16xi32>], vector<16xi32>,
      %gather3A_149 = tpu.vector_load_idx %arg7[%get3A_137] : memref<10000xi32, #tpu.memory_space<vmem>>[vector<16xi32>], vector<16xi32>,
      %gather3A_150 = tpu.vector_load_idx %arg8[%get3A_137] : memref<10000xi32, #tpu.memory_space<vmem>>[vector<16xi32>], vector<16xi32>,
      %gather3A_151 = tpu.vector_load_idx %arg7[%get3A_143] : memref<10000xi32, #tpu.memory_space<vmem>>[vector<16xi32>], vector<16xi32>,
      %gather3A_152 = tpu.vector_load_idx %arg8[%get3A_143] : memref<10000xi32, #tpu.memory_space<vmem>>[vector<16xi32>], vector<16xi32>,
      %ne3A = arith.cmpi ne, %gather3A, %iota3A : vector<16xi32>
      %ne3A_153 = arith.cmpi ne, %gather3A_148, %iota3A : vector<16xi32>
      %or3A = arith.ori %ne3A, %ne3A_153 : vector<16xi1>
      %all_reduce_population_count3A = tpu.all_reduce %or3A {dim = 0 : i64, kind = #tpu.reduction_kind<sum>} : vector<16xi1> -> vector<16xi32>
      %slice3A = vector.extract_strided_slice %all_reduce_population_count3A {offsets = [0], sizes = [1], strides = [1]} : vector<16xi32> to vector<1xi32>
      %squeeze3A = vector.extract %slice3A[0] : i32 from vector<1xi32>
      %gt3A = arith.constant 0 : i32
      %gt3A_154 = arith.cmpi sgt, %squeeze3A, %gt3A : i32
      %scan3A_155 = arith.constant 0 : i32
      %scan3A_156 = arith.constant 25 : i32
      %scan3A_157 = arith.addi %scan3A_155, %scan3A_156 : i32
      %scan3A_158 = arith.constant 1 : i32
      %scan3A_159:9 = scf.for %scan3A_238 = %scan3A_155 to %scan3A_157 step %scan3A_158 iter_args(%scan3A_239 = %get3A_139, %scan3A_240 = %get3A_145, %scan3A_241 = %get3A_141, %scan3A_242 = %get3A_147, %scan3A_243 = %gather3A_149, %scan3A_244 = %gather3A_150, %scan3A_245 = %gather3A_151, %scan3A_246 = %gather3A_152, %scan3A_247 = %gt3A_154) -> (vector<16xi32>, vector<16xi32>, vector<16xf32>, vector<16xf32>, vector<16xi32>, vector<16xi32>, vector<16xi32>, vector<16xi32>, i1)  : i32 {
        %shift_left3A = arith.constant 16 : i32
        %shift_left3A_248 = vector.broadcast %shift_left3A : i32 to vector<16xi32>
        %shift_left3A_249 = arith.shli %scan3A_243, %shift_left3A_248 : vector<16xi32>
        %bitcast_convert_type3A = tpu.bitcast %shift_left3A_249 : vector<16xi32> -> vector<16xf32>
        %mul3A_250 = arith.mulf %scan3A_241, %bitcast_convert_type3A : vector<16xf32>
        %shift_left3A_251 = arith.constant 16 : i32
        %shift_left3A_252 = vector.broadcast %shift_left3A_251 : i32 to vector<16xi32>
        %shift_left3A_253 = arith.shli %scan3A_244, %shift_left3A_252 : vector<16xi32>
        %bitcast_convert_type3A_254 = tpu.bitcast %shift_left3A_253 : vector<16xi32> -> vector<16xf32>
        %mul3A_255 = arith.mulf %scan3A_241, %bitcast_convert_type3A_254 : vector<16xf32>
        %and3A = arith.constant -65536 : i32
        %and3A_256 = vector.broadcast %and3A : i32 to vector<16xi32>
        %and3A_257 = arith.andi %scan3A_243, %and3A_256 : vector<16xi32>
        %bitcast_convert_type3A_258 = tpu.bitcast %and3A_257 : vector<16xi32> -> vector<16xf32>
        %mul3A_259 = arith.mulf %scan3A_241, %bitcast_convert_type3A_258 : vector<16xf32>
        %and3A_260 = arith.constant -65536 : i32
        %and3A_261 = vector.broadcast %and3A_260 : i32 to vector<16xi32>
        %and3A_262 = arith.andi %scan3A_244, %and3A_261 : vector<16xi32>
        %bitcast_convert_type3A_263 = tpu.bitcast %and3A_262 : vector<16xi32> -> vector<16xf32>
        %mul3A_264 = arith.mulf %scan3A_241, %bitcast_convert_type3A_263 : vector<16xf32>
        %shift_left3A_265 = arith.constant 16 : i32
        %shift_left3A_266 = vector.broadcast %shift_left3A_265 : i32 to vector<16xi32>
        %shift_left3A_267 = arith.shli %scan3A_245, %shift_left3A_266 : vector<16xi32>
        %bitcast_convert_type3A_268 = tpu.bitcast %shift_left3A_267 : vector<16xi32> -> vector<16xf32>
        %mul3A_269 = arith.mulf %scan3A_242, %bitcast_convert_type3A_268 : vector<16xf32>
        %shift_left3A_270 = arith.constant 16 : i32
        %shift_left3A_271 = vector.broadcast %shift_left3A_270 : i32 to vector<16xi32>
        %shift_left3A_272 = arith.shli %scan3A_246, %shift_left3A_271 : vector<16xi32>
        %bitcast_convert_type3A_273 = tpu.bitcast %shift_left3A_272 : vector<16xi32> -> vector<16xf32>
        %mul3A_274 = arith.mulf %scan3A_242, %bitcast_convert_type3A_273 : vector<16xf32>
        %and3A_275 = arith.constant -65536 : i32
        %and3A_276 = vector.broadcast %and3A_275 : i32 to vector<16xi32>
        %and3A_277 = arith.andi %scan3A_245, %and3A_276 : vector<16xi32>
        %bitcast_convert_type3A_278 = tpu.bitcast %and3A_277 : vector<16xi32> -> vector<16xf32>
        %mul3A_279 = arith.mulf %scan3A_242, %bitcast_convert_type3A_278 : vector<16xf32>
        %and3A_280 = arith.constant -65536 : i32
        %and3A_281 = vector.broadcast %and3A_280 : i32 to vector<16xi32>
        %and3A_282 = arith.andi %scan3A_246, %and3A_281 : vector<16xi32>
        %bitcast_convert_type3A_283 = tpu.bitcast %and3A_282 : vector<16xi32> -> vector<16xf32>
        %mul3A_284 = arith.mulf %scan3A_242, %bitcast_convert_type3A_283 : vector<16xf32>
        %gather3A_285 = tpu.vector_load_idx %arg9[%scan3A_239] : memref<10000xf32, #tpu.memory_space<vmem>>[vector<16xi32>], vector<16xf32>,
        %gather3A_286 = tpu.vector_load_idx %arg10[%scan3A_239] : memref<10000xf32, #tpu.memory_space<vmem>>[vector<16xi32>], vector<16xf32>,
        %gather3A_287 = tpu.vector_load_idx %arg11[%scan3A_239] : memref<10000xf32, #tpu.memory_space<vmem>>[vector<16xi32>], vector<16xf32>,
        %gather3A_288 = tpu.vector_load_idx %arg12[%scan3A_239] : memref<10000xf32, #tpu.memory_space<vmem>>[vector<16xi32>], vector<16xf32>,
        %gather3A_289 = tpu.vector_load_idx %arg13[%scan3A_240] : memref<10000xf32, #tpu.memory_space<vmem>>[vector<16xi32>], vector<16xf32>,
        %gather3A_290 = tpu.vector_load_idx %arg14[%scan3A_240] : memref<10000xf32, #tpu.memory_space<vmem>>[vector<16xi32>], vector<16xf32>,
        %gather3A_291 = tpu.vector_load_idx %arg15[%scan3A_240] : memref<10000xf32, #tpu.memory_space<vmem>>[vector<16xi32>], vector<16xf32>,
        %gather3A_292 = tpu.vector_load_idx %arg16[%scan3A_240] : memref<10000xf32, #tpu.memory_space<vmem>>[vector<16xi32>], vector<16xf32>,
        %add3A_293 = arith.constant 1 : i32
        %add3A_294 = arith.addi %scan3A_238, %add3A_293 : i32
        %mul3A_295 = arith.constant 2 : i32
        %mul3A_296 = arith.muli %mul3A_295, %add3A_294 : i32
        %add3A_297 = arith.constant 0 : i32
        %add3A_298 = arith.addi %mul3A_296, %add3A_297 : i32
        %mul3A_299 = arith.constant 16 : i32
        %mul3A_300 = arith.muli %add3A_298, %mul3A_299 : i32
        %get3A_301 = arith.index_cast %mul3A_300 : i32 to index
        %get3A_302 = tpu.vector_load %arg17[%get3A_301] {strides = array<i32>} : memref<832xi32, #tpu.memory_space<vmem>>, vector<16xi32>,
        %get3A_303 = arith.index_cast %mul3A_300 : i32 to index
        %get3A_304 = tpu.vector_load %arg19[%get3A_303] {strides = array<i32>} : memref<832xi32, #tpu.memory_space<vmem>>, vector<16xi32>,
        %get3A_305 = arith.index_cast %mul3A_300 : i32 to index
        %get3A_306 = tpu.vector_load %arg21[%get3A_305] {strides = array<i32>} : memref<832xf32, #tpu.memory_space<vmem>>, vector<16xf32>,
        %mul3A_307 = arith.constant 2 : i32
        %mul3A_308 = arith.muli %mul3A_307, %add3A_294 : i32
        %add3A_309 = arith.constant 1 : i32
        %add3A_310 = arith.addi %mul3A_308, %add3A_309 : i32
        %mul3A_311 = arith.constant 16 : i32
        %mul3A_312 = arith.muli %add3A_310, %mul3A_311 : i32
        %get3A_313 = arith.index_cast %mul3A_312 : i32 to index
        %get3A_314 = tpu.vector_load %arg17[%get3A_313] {strides = array<i32>} : memref<832xi32, #tpu.memory_space<vmem>>, vector<16xi32>,
        %get3A_315 = arith.index_cast %mul3A_312 : i32 to index
        %get3A_316 = tpu.vector_load %arg19[%get3A_315] {strides = array<i32>} : memref<832xi32, #tpu.memory_space<vmem>>, vector<16xi32>,
        %get3A_317 = arith.index_cast %mul3A_312 : i32 to index
        %get3A_318 = tpu.vector_load %arg21[%get3A_317] {strides = array<i32>} : memref<832xf32, #tpu.memory_space<vmem>>, vector<16xf32>,
        tpu.vector_store_idx %arg23[%get3A_304], %iota3A : memref<10000xi32, #tpu.memory_space<vmem>>[vector<16xi32>], vector<16xi32>,
        %gather3A_319 = tpu.vector_load_idx %arg23[%get3A_304] : memref<10000xi32, #tpu.memory_space<vmem>>[vector<16xi32>], vector<16xi32>,
        tpu.vector_store_idx %arg24[%get3A_316], %iota3A : memref<10000xi32, #tpu.memory_space<vmem>>[vector<16xi32>], vector<16xi32>,
        %gather3A_320 = tpu.vector_load_idx %arg24[%get3A_316] : memref<10000xi32, #tpu.memory_space<vmem>>[vector<16xi32>], vector<16xi32>,
        %gather3A_321 = tpu.vector_load_idx %arg7[%get3A_302] : memref<10000xi32, #tpu.memory_space<vmem>>[vector<16xi32>], vector<16xi32>,
        %gather3A_322 = tpu.vector_load_idx %arg8[%get3A_302] : memref<10000xi32, #tpu.memory_space<vmem>>[vector<16xi32>], vector<16xi32>,
        %gather3A_323 = tpu.vector_load_idx %arg7[%get3A_314] : memref<10000xi32, #tpu.memory_space<vmem>>[vector<16xi32>], vector<16xi32>,
        %gather3A_324 = tpu.vector_load_idx %arg8[%get3A_314] : memref<10000xi32, #tpu.memory_space<vmem>>[vector<16xi32>], vector<16xi32>,
        %ne3A_325 = arith.cmpi ne, %gather3A_319, %iota3A : vector<16xi32>
        %ne3A_326 = arith.cmpi ne, %gather3A_320, %iota3A : vector<16xi32>
        %or3A_327 = arith.ori %ne3A_325, %ne3A_326 : vector<16xi1>
        %all_reduce_population_count3A_328 = tpu.all_reduce %or3A_327 {dim = 0 : i64, kind = #tpu.reduction_kind<sum>} : vector<16xi1> -> vector<16xi32>
        %slice3A_329 = vector.extract_strided_slice %all_reduce_population_count3A_328 {offsets = [0], sizes = [1], strides = [1]} : vector<16xi32> to vector<1xi32>
        %squeeze3A_330 = vector.extract %slice3A_329[0] : i32 from vector<1xi32>
        %gt3A_331 = arith.constant 0 : i32
        %gt3A_332 = arith.cmpi sgt, %squeeze3A_330, %gt3A_331 : i32
        %max3A = arith.maximumf %gather3A_285, %mul3A_250 : vector<16xf32>
        %max3A_333 = arith.maximumf %gather3A_286, %mul3A_255 : vector<16xf32>
        %max3A_334 = arith.maximumf %gather3A_287, %mul3A_259 : vector<16xf32>
        %max3A_335 = arith.maximumf %gather3A_288, %mul3A_264 : vector<16xf32>
        %max3A_336 = arith.maximumf %gather3A_289, %mul3A_269 : vector<16xf32>
        %max3A_337 = arith.maximumf %gather3A_290, %mul3A_274 : vector<16xf32>
        %max3A_338 = arith.maximumf %gather3A_291, %mul3A_279 : vector<16xf32>
        %max3A_339 = arith.maximumf %gather3A_292, %mul3A_284 : vector<16xf32>
        tpu.vector_store_idx %arg9[%scan3A_239], %max3A : memref<10000xf32, #tpu.memory_space<vmem>>[vector<16xi32>], vector<16xf32>,
        tpu.vector_store_idx %arg13[%scan3A_240], %max3A_336 : memref<10000xf32, #tpu.memory_space<vmem>>[vector<16xi32>], vector<16xf32>,
        tpu.vector_store_idx %arg10[%scan3A_239], %max3A_333 : memref<10000xf32, #tpu.memory_space<vmem>>[vector<16xi32>], vector<16xf32>,
        tpu.vector_store_idx %arg14[%scan3A_240], %max3A_337 : memref<10000xf32, #tpu.memory_space<vmem>>[vector<16xi32>], vector<16xf32>,
        tpu.vector_store_idx %arg11[%scan3A_239], %max3A_334 : memref<10000xf32, #tpu.memory_space<vmem>>[vector<16xi32>], vector<16xf32>,
        tpu.vector_store_idx %arg15[%scan3A_240], %max3A_338 : memref<10000xf32, #tpu.memory_space<vmem>>[vector<16xi32>], vector<16xf32>,
        tpu.vector_store_idx %arg12[%scan3A_239], %max3A_335 : memref<10000xf32, #tpu.memory_space<vmem>>[vector<16xi32>], vector<16xf32>,
        tpu.vector_store_idx %arg16[%scan3A_240], %max3A_339 : memref<10000xf32, #tpu.memory_space<vmem>>[vector<16xi32>], vector<16xf32>,
        %convert_element_type3A_340 = arith.extui %scan3A_247 : i1 to i32
        %cond3A_341 = arith.constant 0 : i32
        %cond3A_342 = arith.cmpi ne, %convert_element_type3A_340, %cond3A_341 : i32
        scf.if %cond3A_342 {
          %broadcast_in_dim3A_343 = arith.constant true
          %broadcast_in_dim3A_344 = vector.broadcast %broadcast_in_dim3A_343 : i1 to vector<16xi1>
          %while3A = scf.while (%while3A_366 = %broadcast_in_dim3A_344) : (vector<16xi1>) -> vector<16xi1> {
            %reduce_or3A = arith.constant 1.000000e+00 : f32
            %reduce_or3A_367 = arith.constant 0.000000e+00 : f32
            %reduce_or3A_368 = vector.broadcast %reduce_or3A : f32 to vector<16xf32>
            %reduce_or3A_369 = vector.broadcast %reduce_or3A_367 : f32 to vector<16xf32>
            %reduce_or3A_370 = arith.select %while3A_366, %reduce_or3A_368, %reduce_or3A_369 : vector<16xi1>, vector<16xf32>
            %reduce_or3A_371 = arith.constant true
            %reduce_or3A_372 = vector.broadcast %reduce_or3A_371 : i1 to vector<16xi1>
            %reduce_or3A_373 = tpu.scan <max>, %reduce_or3A_370 masked %reduce_or3A_372 : vector<16xf32>, vector<16xi1> -> vector<16xf32>
            %reduce_or3A_374 = vector.extract %reduce_or3A_373[15] : f32 from vector<16xf32>
            %reduce_or3A_375 = arith.constant 0.000000e+00 : f32
            %reduce_or3A_376 = arith.cmpf ogt, %reduce_or3A_374, %reduce_or3A_375 : f32
            scf.condition(%reduce_or3A_376) %while3A_366 : vector<16xi1>
          } do {
          ^bb0(%while3A_366: vector<16xi1>):
            %gather3A_367 = tpu.vector_load_idx %arg9[%scan3A_239] : memref<10000xf32, #tpu.memory_space<vmem>>[vector<16xi32>], vector<16xf32>,
            %max3A_368 = arith.maximumf %gather3A_367, %mul3A_250 : vector<16xf32>
            tpu.vector_store_idx %arg9[%scan3A_239], %max3A_368 masked %while3A_366 : memref<10000xf32, #tpu.memory_space<vmem>>[vector<16xi32>], vector<16xf32>, vector<16xi1>
            %gather3A_369 = tpu.vector_load_idx %arg9[%scan3A_239] : memref<10000xf32, #tpu.memory_space<vmem>>[vector<16xi32>], vector<16xf32>,
            %lt3A_370 = arith.cmpf olt, %gather3A_369, %mul3A_250 : vector<16xf32>
            %and3A_371 = arith.andi %while3A_366, %lt3A_370 : vector<16xi1>
            scf.yield %and3A_371 : vector<16xi1>
          }
          %broadcast_in_dim3A_345 = arith.constant true
          %broadcast_in_dim3A_346 = vector.broadcast %broadcast_in_dim3A_345 : i1 to vector<16xi1>
          %while3A_347 = scf.while (%while3A_366 = %broadcast_in_dim3A_346) : (vector<16xi1>) -> vector<16xi1> {
            %reduce_or3A = arith.constant 1.000000e+00 : f32
            %reduce_or3A_367 = arith.constant 0.000000e+00 : f32
            %reduce_or3A_368 = vector.broadcast %reduce_or3A : f32 to vector<16xf32>
            %reduce_or3A_369 = vector.broadcast %reduce_or3A_367 : f32 to vector<16xf32>
            %reduce_or3A_370 = arith.select %while3A_366, %reduce_or3A_368, %reduce_or3A_369 : vector<16xi1>, vector<16xf32>
            %reduce_or3A_371 = arith.constant true
            %reduce_or3A_372 = vector.broadcast %reduce_or3A_371 : i1 to vector<16xi1>
            %reduce_or3A_373 = tpu.scan <max>, %reduce_or3A_370 masked %reduce_or3A_372 : vector<16xf32>, vector<16xi1> -> vector<16xf32>
            %reduce_or3A_374 = vector.extract %reduce_or3A_373[15] : f32 from vector<16xf32>
            %reduce_or3A_375 = arith.constant 0.000000e+00 : f32
            %reduce_or3A_376 = arith.cmpf ogt, %reduce_or3A_374, %reduce_or3A_375 : f32
            scf.condition(%reduce_or3A_376) %while3A_366 : vector<16xi1>
          } do {
          ^bb0(%while3A_366: vector<16xi1>):
            %gather3A_367 = tpu.vector_load_idx %arg10[%scan3A_239] : memref<10000xf32, #tpu.memory_space<vmem>>[vector<16xi32>], vector<16xf32>,
            %max3A_368 = arith.maximumf %gather3A_367, %mul3A_255 : vector<16xf32>
            tpu.vector_store_idx %arg10[%scan3A_239], %max3A_368 masked %while3A_366 : memref<10000xf32, #tpu.memory_space<vmem>>[vector<16xi32>], vector<16xf32>, vector<16xi1>
            %gather3A_369 = tpu.vector_load_idx %arg10[%scan3A_239] : memref<10000xf32, #tpu.memory_space<vmem>>[vector<16xi32>], vector<16xf32>,
            %lt3A_370 = arith.cmpf olt, %gather3A_369, %mul3A_255 : vector<16xf32>
            %and3A_371 = arith.andi %while3A_366, %lt3A_370 : vector<16xi1>
            scf.yield %and3A_371 : vector<16xi1>
          }
          %broadcast_in_dim3A_348 = arith.constant true
          %broadcast_in_dim3A_349 = vector.broadcast %broadcast_in_dim3A_348 : i1 to vector<16xi1>
          %while3A_350 = scf.while (%while3A_366 = %broadcast_in_dim3A_349) : (vector<16xi1>) -> vector<16xi1> {
            %reduce_or3A = arith.constant 1.000000e+00 : f32
            %reduce_or3A_367 = arith.constant 0.000000e+00 : f32
            %reduce_or3A_368 = vector.broadcast %reduce_or3A : f32 to vector<16xf32>
            %reduce_or3A_369 = vector.broadcast %reduce_or3A_367 : f32 to vector<16xf32>
            %reduce_or3A_370 = arith.select %while3A_366, %reduce_or3A_368, %reduce_or3A_369 : vector<16xi1>, vector<16xf32>
            %reduce_or3A_371 = arith.constant true
            %reduce_or3A_372 = vector.broadcast %reduce_or3A_371 : i1 to vector<16xi1>
            %reduce_or3A_373 = tpu.scan <max>, %reduce_or3A_370 masked %reduce_or3A_372 : vector<16xf32>, vector<16xi1> -> vector<16xf32>
            %reduce_or3A_374 = vector.extract %reduce_or3A_373[15] : f32 from vector<16xf32>
            %reduce_or3A_375 = arith.constant 0.000000e+00 : f32
            %reduce_or3A_376 = arith.cmpf ogt, %reduce_or3A_374, %reduce_or3A_375 : f32
            scf.condition(%reduce_or3A_376) %while3A_366 : vector<16xi1>
          } do {
          ^bb0(%while3A_366: vector<16xi1>):
            %gather3A_367 = tpu.vector_load_idx %arg11[%scan3A_239] : memref<10000xf32, #tpu.memory_space<vmem>>[vector<16xi32>], vector<16xf32>,
            %max3A_368 = arith.maximumf %gather3A_367, %mul3A_259 : vector<16xf32>
            tpu.vector_store_idx %arg11[%scan3A_239], %max3A_368 masked %while3A_366 : memref<10000xf32, #tpu.memory_space<vmem>>[vector<16xi32>], vector<16xf32>, vector<16xi1>
            %gather3A_369 = tpu.vector_load_idx %arg11[%scan3A_239] : memref<10000xf32, #tpu.memory_space<vmem>>[vector<16xi32>], vector<16xf32>,
            %lt3A_370 = arith.cmpf olt, %gather3A_369, %mul3A_259 : vector<16xf32>
            %and3A_371 = arith.andi %while3A_366, %lt3A_370 : vector<16xi1>
            scf.yield %and3A_371 : vector<16xi1>
          }
          %broadcast_in_dim3A_351 = arith.constant true
          %broadcast_in_dim3A_352 = vector.broadcast %broadcast_in_dim3A_351 : i1 to vector<16xi1>
          %while3A_353 = scf.while (%while3A_366 = %broadcast_in_dim3A_352) : (vector<16xi1>) -> vector<16xi1> {
            %reduce_or3A = arith.constant 1.000000e+00 : f32
            %reduce_or3A_367 = arith.constant 0.000000e+00 : f32
            %reduce_or3A_368 = vector.broadcast %reduce_or3A : f32 to vector<16xf32>
            %reduce_or3A_369 = vector.broadcast %reduce_or3A_367 : f32 to vector<16xf32>
            %reduce_or3A_370 = arith.select %while3A_366, %reduce_or3A_368, %reduce_or3A_369 : vector<16xi1>, vector<16xf32>
            %reduce_or3A_371 = arith.constant true
            %reduce_or3A_372 = vector.broadcast %reduce_or3A_371 : i1 to vector<16xi1>
            %reduce_or3A_373 = tpu.scan <max>, %reduce_or3A_370 masked %reduce_or3A_372 : vector<16xf32>, vector<16xi1> -> vector<16xf32>
            %reduce_or3A_374 = vector.extract %reduce_or3A_373[15] : f32 from vector<16xf32>
            %reduce_or3A_375 = arith.constant 0.000000e+00 : f32
            %reduce_or3A_376 = arith.cmpf ogt, %reduce_or3A_374, %reduce_or3A_375 : f32
            scf.condition(%reduce_or3A_376) %while3A_366 : vector<16xi1>
          } do {
          ^bb0(%while3A_366: vector<16xi1>):
            %gather3A_367 = tpu.vector_load_idx %arg12[%scan3A_239] : memref<10000xf32, #tpu.memory_space<vmem>>[vector<16xi32>], vector<16xf32>,
            %max3A_368 = arith.maximumf %gather3A_367, %mul3A_264 : vector<16xf32>
            tpu.vector_store_idx %arg12[%scan3A_239], %max3A_368 masked %while3A_366 : memref<10000xf32, #tpu.memory_space<vmem>>[vector<16xi32>], vector<16xf32>, vector<16xi1>
            %gather3A_369 = tpu.vector_load_idx %arg12[%scan3A_239] : memref<10000xf32, #tpu.memory_space<vmem>>[vector<16xi32>], vector<16xf32>,
            %lt3A_370 = arith.cmpf olt, %gather3A_369, %mul3A_264 : vector<16xf32>
            %and3A_371 = arith.andi %while3A_366, %lt3A_370 : vector<16xi1>
            scf.yield %and3A_371 : vector<16xi1>
          }
          %broadcast_in_dim3A_354 = arith.constant true
          %broadcast_in_dim3A_355 = vector.broadcast %broadcast_in_dim3A_354 : i1 to vector<16xi1>
          %while3A_356 = scf.while (%while3A_366 = %broadcast_in_dim3A_355) : (vector<16xi1>) -> vector<16xi1> {
            %reduce_or3A = arith.constant 1.000000e+00 : f32
            %reduce_or3A_367 = arith.constant 0.000000e+00 : f32
            %reduce_or3A_368 = vector.broadcast %reduce_or3A : f32 to vector<16xf32>
            %reduce_or3A_369 = vector.broadcast %reduce_or3A_367 : f32 to vector<16xf32>
            %reduce_or3A_370 = arith.select %while3A_366, %reduce_or3A_368, %reduce_or3A_369 : vector<16xi1>, vector<16xf32>
            %reduce_or3A_371 = arith.constant true
            %reduce_or3A_372 = vector.broadcast %reduce_or3A_371 : i1 to vector<16xi1>
            %reduce_or3A_373 = tpu.scan <max>, %reduce_or3A_370 masked %reduce_or3A_372 : vector<16xf32>, vector<16xi1> -> vector<16xf32>
            %reduce_or3A_374 = vector.extract %reduce_or3A_373[15] : f32 from vector<16xf32>
            %reduce_or3A_375 = arith.constant 0.000000e+00 : f32
            %reduce_or3A_376 = arith.cmpf ogt, %reduce_or3A_374, %reduce_or3A_375 : f32
            scf.condition(%reduce_or3A_376) %while3A_366 : vector<16xi1>
          } do {
          ^bb0(%while3A_366: vector<16xi1>):
            %gather3A_367 = tpu.vector_load_idx %arg13[%scan3A_240] : memref<10000xf32, #tpu.memory_space<vmem>>[vector<16xi32>], vector<16xf32>,
            %max3A_368 = arith.maximumf %gather3A_367, %mul3A_269 : vector<16xf32>
            tpu.vector_store_idx %arg13[%scan3A_240], %max3A_368 masked %while3A_366 : memref<10000xf32, #tpu.memory_space<vmem>>[vector<16xi32>], vector<16xf32>, vector<16xi1>
            %gather3A_369 = tpu.vector_load_idx %arg13[%scan3A_240] : memref<10000xf32, #tpu.memory_space<vmem>>[vector<16xi32>], vector<16xf32>,
            %lt3A_370 = arith.cmpf olt, %gather3A_369, %mul3A_269 : vector<16xf32>
            %and3A_371 = arith.andi %while3A_366, %lt3A_370 : vector<16xi1>
            scf.yield %and3A_371 : vector<16xi1>
          }
          %broadcast_in_dim3A_357 = arith.constant true
          %broadcast_in_dim3A_358 = vector.broadcast %broadcast_in_dim3A_357 : i1 to vector<16xi1>
          %while3A_359 = scf.while (%while3A_366 = %broadcast_in_dim3A_358) : (vector<16xi1>) -> vector<16xi1> {
            %reduce_or3A = arith.constant 1.000000e+00 : f32
            %reduce_or3A_367 = arith.constant 0.000000e+00 : f32
            %reduce_or3A_368 = vector.broadcast %reduce_or3A : f32 to vector<16xf32>
            %reduce_or3A_369 = vector.broadcast %reduce_or3A_367 : f32 to vector<16xf32>
            %reduce_or3A_370 = arith.select %while3A_366, %reduce_or3A_368, %reduce_or3A_369 : vector<16xi1>, vector<16xf32>
            %reduce_or3A_371 = arith.constant true
            %reduce_or3A_372 = vector.broadcast %reduce_or3A_371 : i1 to vector<16xi1>
            %reduce_or3A_373 = tpu.scan <max>, %reduce_or3A_370 masked %reduce_or3A_372 : vector<16xf32>, vector<16xi1> -> vector<16xf32>
            %reduce_or3A_374 = vector.extract %reduce_or3A_373[15] : f32 from vector<16xf32>
            %reduce_or3A_375 = arith.constant 0.000000e+00 : f32
            %reduce_or3A_376 = arith.cmpf ogt, %reduce_or3A_374, %reduce_or3A_375 : f32
            scf.condition(%reduce_or3A_376) %while3A_366 : vector<16xi1>
          } do {
          ^bb0(%while3A_366: vector<16xi1>):
            %gather3A_367 = tpu.vector_load_idx %arg14[%scan3A_240] : memref<10000xf32, #tpu.memory_space<vmem>>[vector<16xi32>], vector<16xf32>,
            %max3A_368 = arith.maximumf %gather3A_367, %mul3A_274 : vector<16xf32>
            tpu.vector_store_idx %arg14[%scan3A_240], %max3A_368 masked %while3A_366 : memref<10000xf32, #tpu.memory_space<vmem>>[vector<16xi32>], vector<16xf32>, vector<16xi1>
            %gather3A_369 = tpu.vector_load_idx %arg14[%scan3A_240] : memref<10000xf32, #tpu.memory_space<vmem>>[vector<16xi32>], vector<16xf32>,
            %lt3A_370 = arith.cmpf olt, %gather3A_369, %mul3A_274 : vector<16xf32>
            %and3A_371 = arith.andi %while3A_366, %lt3A_370 : vector<16xi1>
            scf.yield %and3A_371 : vector<16xi1>
          }
          %broadcast_in_dim3A_360 = arith.constant true
          %broadcast_in_dim3A_361 = vector.broadcast %broadcast_in_dim3A_360 : i1 to vector<16xi1>
          %while3A_362 = scf.while (%while3A_366 = %broadcast_in_dim3A_361) : (vector<16xi1>) -> vector<16xi1> {
            %reduce_or3A = arith.constant 1.000000e+00 : f32
            %reduce_or3A_367 = arith.constant 0.000000e+00 : f32
            %reduce_or3A_368 = vector.broadcast %reduce_or3A : f32 to vector<16xf32>
            %reduce_or3A_369 = vector.broadcast %reduce_or3A_367 : f32 to vector<16xf32>
            %reduce_or3A_370 = arith.select %while3A_366, %reduce_or3A_368, %reduce_or3A_369 : vector<16xi1>, vector<16xf32>
            %reduce_or3A_371 = arith.constant true
            %reduce_or3A_372 = vector.broadcast %reduce_or3A_371 : i1 to vector<16xi1>
            %reduce_or3A_373 = tpu.scan <max>, %reduce_or3A_370 masked %reduce_or3A_372 : vector<16xf32>, vector<16xi1> -> vector<16xf32>
            %reduce_or3A_374 = vector.extract %reduce_or3A_373[15] : f32 from vector<16xf32>
            %reduce_or3A_375 = arith.constant 0.000000e+00 : f32
            %reduce_or3A_376 = arith.cmpf ogt, %reduce_or3A_374, %reduce_or3A_375 : f32
            scf.condition(%reduce_or3A_376) %while3A_366 : vector<16xi1>
          } do {
          ^bb0(%while3A_366: vector<16xi1>):
            %gather3A_367 = tpu.vector_load_idx %arg15[%scan3A_240] : memref<10000xf32, #tpu.memory_space<vmem>>[vector<16xi32>], vector<16xf32>,
            %max3A_368 = arith.maximumf %gather3A_367, %mul3A_279 : vector<16xf32>
            tpu.vector_store_idx %arg15[%scan3A_240], %max3A_368 masked %while3A_366 : memref<10000xf32, #tpu.memory_space<vmem>>[vector<16xi32>], vector<16xf32>, vector<16xi1>
            %gather3A_369 = tpu.vector_load_idx %arg15[%scan3A_240] : memref<10000xf32, #tpu.memory_space<vmem>>[vector<16xi32>], vector<16xf32>,
            %lt3A_370 = arith.cmpf olt, %gather3A_369, %mul3A_279 : vector<16xf32>
            %and3A_371 = arith.andi %while3A_366, %lt3A_370 : vector<16xi1>
            scf.yield %and3A_371 : vector<16xi1>
          }
          %broadcast_in_dim3A_363 = arith.constant true
          %broadcast_in_dim3A_364 = vector.broadcast %broadcast_in_dim3A_363 : i1 to vector<16xi1>
          %while3A_365 = scf.while (%while3A_366 = %broadcast_in_dim3A_364) : (vector<16xi1>) -> vector<16xi1> {
            %reduce_or3A = arith.constant 1.000000e+00 : f32
            %reduce_or3A_367 = arith.constant 0.000000e+00 : f32
            %reduce_or3A_368 = vector.broadcast %reduce_or3A : f32 to vector<16xf32>
            %reduce_or3A_369 = vector.broadcast %reduce_or3A_367 : f32 to vector<16xf32>
            %reduce_or3A_370 = arith.select %while3A_366, %reduce_or3A_368, %reduce_or3A_369 : vector<16xi1>, vector<16xf32>
            %reduce_or3A_371 = arith.constant true
            %reduce_or3A_372 = vector.broadcast %reduce_or3A_371 : i1 to vector<16xi1>
            %reduce_or3A_373 = tpu.scan <max>, %reduce_or3A_370 masked %reduce_or3A_372 : vector<16xf32>, vector<16xi1> -> vector<16xf32>
            %reduce_or3A_374 = vector.extract %reduce_or3A_373[15] : f32 from vector<16xf32>
            %reduce_or3A_375 = arith.constant 0.000000e+00 : f32
            %reduce_or3A_376 = arith.cmpf ogt, %reduce_or3A_374, %reduce_or3A_375 : f32
            scf.condition(%reduce_or3A_376) %while3A_366 : vector<16xi1>
          } do {
          ^bb0(%while3A_366: vector<16xi1>):
            %gather3A_367 = tpu.vector_load_idx %arg16[%scan3A_240] : memref<10000xf32, #tpu.memory_space<vmem>>[vector<16xi32>], vector<16xf32>,
            %max3A_368 = arith.maximumf %gather3A_367, %mul3A_284 : vector<16xf32>
            tpu.vector_store_idx %arg16[%scan3A_240], %max3A_368 masked %while3A_366 : memref<10000xf32, #tpu.memory_space<vmem>>[vector<16xi32>], vector<16xf32>, vector<16xi1>
            %gather3A_369 = tpu.vector_load_idx %arg16[%scan3A_240] : memref<10000xf32, #tpu.memory_space<vmem>>[vector<16xi32>], vector<16xf32>,
            %lt3A_370 = arith.cmpf olt, %gather3A_369, %mul3A_284 : vector<16xf32>
            %and3A_371 = arith.andi %while3A_366, %lt3A_370 : vector<16xi1>
            scf.yield %and3A_371 : vector<16xi1>
          }
        } else {
        }
        scf.yield %get3A_304, %get3A_316, %get3A_306, %get3A_318, %gather3A_321, %gather3A_322, %gather3A_323, %gather3A_324, %gt3A_332 : vector<16xi32>, vector<16xi32>, vector<16xf32>, vector<16xf32>, vector<16xi32>, vector<16xi32>, vector<16xi32>, vector<16xi32>, i1
      }
      %scan3A_160 = arith.constant 25 : i32
      %dma_wait3A_161 = arith.constant 1 : i32
      %dma_wait3A_162 = arith.constant 0 : i32
      %dma_wait3A_163 = tpu.memref_slice %arg18[%dma_wait3A_162] : memref<832xi32, #tpu.memory_space<vmem>> -> memref<800xi32, #tpu.memory_space<vmem>>
      %dma_wait3A_164 = arith.constant 0 : i32
      %dma_wait3A_165 = tpu.memref_slice %arg3[%dma_wait3A_164] : memref<320000xi32, #tpu.memory_space<hbm>> -> memref<800xi32, #tpu.memory_space<hbm>>
      %dma_wait3A_166 = tpu.memref_slice %arg25[%dma_wait3A_161] : memref<2x!tpu.dma_semaphore, #tpu.memory_space<semaphore_mem>> -> memref<1x!tpu.dma_semaphore, #tpu.memory_space<semaphore_mem>>
      %dma_wait3A_167 = tpu.memref_squeeze %dma_wait3A_166 : memref<1x!tpu.dma_semaphore, #tpu.memory_space<semaphore_mem>> -> memref<!tpu.dma_semaphore, #tpu.memory_space<semaphore_mem>>
      %dma_wait3A_168 = arith.constant 0 : i32
      %dma_wait3A_169 = tpu.memref_slice %arg18[%dma_wait3A_168] : memref<832xi32, #tpu.memory_space<vmem>> -> memref<800xi32, #tpu.memory_space<vmem>>
      %dma_wait3A_170 = arith.constant 0 : i32
      %dma_wait3A_171 = tpu.memref_slice %arg3[%dma_wait3A_170] : memref<320000xi32, #tpu.memory_space<hbm>> -> memref<800xi32, #tpu.memory_space<hbm>>
      tpu.wait_dma2 semaphore(%dma_wait3A_167 : memref<!tpu.dma_semaphore, #tpu.memory_space<semaphore_mem>>) src(%dma_wait3A_171 : memref<800xi32, #tpu.memory_space<hbm>>) dst(%dma_wait3A_169 : memref<800xi32, #tpu.memory_space<vmem>>)
      %dma_wait3A_172 = arith.constant 1 : i32
      %dma_wait3A_173 = arith.constant 0 : i32
      %dma_wait3A_174 = tpu.memref_slice %arg20[%dma_wait3A_173] : memref<832xi32, #tpu.memory_space<vmem>> -> memref<800xi32, #tpu.memory_space<vmem>>
      %dma_wait3A_175 = arith.constant 0 : i32
      %dma_wait3A_176 = tpu.memref_slice %arg4[%dma_wait3A_175] : memref<320000xi32, #tpu.memory_space<hbm>> -> memref<800xi32, #tpu.memory_space<hbm>>
      %dma_wait3A_177 = tpu.memref_slice %arg25[%dma_wait3A_172] : memref<2x!tpu.dma_semaphore, #tpu.memory_space<semaphore_mem>> -> memref<1x!tpu.dma_semaphore, #tpu.memory_space<semaphore_mem>>
      %dma_wait3A_178 = tpu.memref_squeeze %dma_wait3A_177 : memref<1x!tpu.dma_semaphore, #tpu.memory_space<semaphore_mem>> -> memref<!tpu.dma_semaphore, #tpu.memory_space<semaphore_mem>>
      %dma_wait3A_179 = arith.constant 0 : i32
      %dma_wait3A_180 = tpu.memref_slice %arg20[%dma_wait3A_179] : memref<832xi32, #tpu.memory_space<vmem>> -> memref<800xi32, #tpu.memory_space<vmem>>
      %dma_wait3A_181 = arith.constant 0 : i32
      %dma_wait3A_182 = tpu.memref_slice %arg4[%dma_wait3A_181] : memref<320000xi32, #tpu.memory_space<hbm>> -> memref<800xi32, #tpu.memory_space<hbm>>
      tpu.wait_dma2 semaphore(%dma_wait3A_178 : memref<!tpu.dma_semaphore, #tpu.memory_space<semaphore_mem>>) src(%dma_wait3A_182 : memref<800xi32, #tpu.memory_space<hbm>>) dst(%dma_wait3A_180 : memref<800xi32, #tpu.memory_space<vmem>>)
      %dma_wait3A_183 = arith.constant 1 : i32
      %dma_wait3A_184 = arith.constant 0 : i32
      %dma_wait3A_185 = tpu.memref_slice %arg22[%dma_wait3A_184] : memref<832xf32, #tpu.memory_space<vmem>> -> memref<800xf32, #tpu.memory_space<vmem>>
      %dma_wait3A_186 = arith.constant 0 : i32
      %dma_wait3A_187 = tpu.memref_slice %arg5[%dma_wait3A_186] : memref<320000xf32, #tpu.memory_space<hbm>> -> memref<800xf32, #tpu.memory_space<hbm>>
      %dma_wait3A_188 = tpu.memref_slice %arg25[%dma_wait3A_183] : memref<2x!tpu.dma_semaphore, #tpu.memory_space<semaphore_mem>> -> memref<1x!tpu.dma_semaphore, #tpu.memory_space<semaphore_mem>>
      %dma_wait3A_189 = tpu.memref_squeeze %dma_wait3A_188 : memref<1x!tpu.dma_semaphore, #tpu.memory_space<semaphore_mem>> -> memref<!tpu.dma_semaphore, #tpu.memory_space<semaphore_mem>>
      %dma_wait3A_190 = arith.constant 0 : i32
      %dma_wait3A_191 = tpu.memref_slice %arg22[%dma_wait3A_190] : memref<832xf32, #tpu.memory_space<vmem>> -> memref<800xf32, #tpu.memory_space<vmem>>
      %dma_wait3A_192 = arith.constant 0 : i32
      %dma_wait3A_193 = tpu.memref_slice %arg5[%dma_wait3A_192] : memref<320000xf32, #tpu.memory_space<hbm>> -> memref<800xf32, #tpu.memory_space<hbm>>
      tpu.wait_dma2 semaphore(%dma_wait3A_189 : memref<!tpu.dma_semaphore, #tpu.memory_space<semaphore_mem>>) src(%dma_wait3A_193 : memref<800xf32, #tpu.memory_space<hbm>>) dst(%dma_wait3A_191 : memref<800xf32, #tpu.memory_space<vmem>>)
      %add3A_194 = arith.constant 1 : i32
      %add3A_195 = arith.addi %mul3A_96, %add3A_194 : i32
      %add3A_196 = arith.constant 1 : i32
      %add3A_197 = arith.addi %add3A_195, %add3A_196 : i32
      %lt3A_198 = arith.constant 400 : i32
      %lt3A_199 = arith.cmpi slt, %add3A_197, %lt3A_198 : i32
      %convert_element_type3A_200 = arith.extui %lt3A_199 : i1 to i32
      %cond3A_201 = arith.constant 0 : i32
      %cond3A_202 = arith.cmpi ne, %convert_element_type3A_200, %cond3A_201 : i32
      scf.if %cond3A_202 {
        %add3A_238 = arith.constant 1 : i32
        %add3A_239 = arith.addi %mul3A_96, %add3A_238 : i32
        %add3A_240 = arith.constant 1 : i32
        %add3A_241 = arith.addi %add3A_239, %add3A_240 : i32
        %mul3A_242 = arith.constant 800 : i32
        %mul3A_243 = arith.muli %add3A_241, %mul3A_242 : i32
        %dma_start3A_244 = arith.constant 0 : i32
        %dma_start3A_245 = arith.constant 0 : i32
        %dma_start3A_246 = tpu.memref_slice %arg17[%dma_start3A_245] : memref<832xi32, #tpu.memory_space<vmem>> -> memref<800xi32, #tpu.memory_space<vmem>>
        %dma_start3A_247 = tpu.memref_slice %arg3[%mul3A_243] : memref<320000xi32, #tpu.memory_space<hbm>> -> memref<800xi32, #tpu.memory_space<hbm>>
        %dma_start3A_248 = tpu.memref_slice %arg25[%dma_start3A_244] : memref<2x!tpu.dma_semaphore, #tpu.memory_space<semaphore_mem>> -> memref<1x!tpu.dma_semaphore, #tpu.memory_space<semaphore_mem>>
        %dma_start3A_249 = tpu.memref_squeeze %dma_start3A_248 : memref<1x!tpu.dma_semaphore, #tpu.memory_space<semaphore_mem>> -> memref<!tpu.dma_semaphore, #tpu.memory_space<semaphore_mem>>
        %dma_start3A_250 = arith.constant 0 : i32
        %dma_start3A_251 = tpu.memref_slice %arg17[%dma_start3A_250] : memref<832xi32, #tpu.memory_space<vmem>> -> memref<800xi32, #tpu.memory_space<vmem>>
        %dma_start3A_252 = tpu.memref_slice %arg3[%mul3A_243] : memref<320000xi32, #tpu.memory_space<hbm>> -> memref<800xi32, #tpu.memory_space<hbm>>
        tpu.enqueue_dma source(%dma_start3A_252 : memref<800xi32, #tpu.memory_space<hbm>>) target(%dma_start3A_251 : memref<800xi32, #tpu.memory_space<vmem>>) target_semaphore(%dma_start3A_249 : memref<!tpu.dma_semaphore, #tpu.memory_space<semaphore_mem>>)
        %dma_start3A_253 = arith.constant 0 : i32
        %dma_start3A_254 = arith.constant 0 : i32
        %dma_start3A_255 = tpu.memref_slice %arg19[%dma_start3A_254] : memref<832xi32, #tpu.memory_space<vmem>> -> memref<800xi32, #tpu.memory_space<vmem>>
        %dma_start3A_256 = tpu.memref_slice %arg4[%mul3A_243] : memref<320000xi32, #tpu.memory_space<hbm>> -> memref<800xi32, #tpu.memory_space<hbm>>
        %dma_start3A_257 = tpu.memref_slice %arg25[%dma_start3A_253] : memref<2x!tpu.dma_semaphore, #tpu.memory_space<semaphore_mem>> -> memref<1x!tpu.dma_semaphore, #tpu.memory_space<semaphore_mem>>
        %dma_start3A_258 = tpu.memref_squeeze %dma_start3A_257 : memref<1x!tpu.dma_semaphore, #tpu.memory_space<semaphore_mem>> -> memref<!tpu.dma_semaphore, #tpu.memory_space<semaphore_mem>>
        %dma_start3A_259 = arith.constant 0 : i32
        %dma_start3A_260 = tpu.memref_slice %arg19[%dma_start3A_259] : memref<832xi32, #tpu.memory_space<vmem>> -> memref<800xi32, #tpu.memory_space<vmem>>
        %dma_start3A_261 = tpu.memref_slice %arg4[%mul3A_243] : memref<320000xi32, #tpu.memory_space<hbm>> -> memref<800xi32, #tpu.memory_space<hbm>>
        tpu.enqueue_dma source(%dma_start3A_261 : memref<800xi32, #tpu.memory_space<hbm>>) target(%dma_start3A_260 : memref<800xi32, #tpu.memory_space<vmem>>) target_semaphore(%dma_start3A_258 : memref<!tpu.dma_semaphore, #tpu.memory_space<semaphore_mem>>)
        %dma_start3A_262 = arith.constant 0 : i32
        %dma_start3A_263 = arith.constant 0 : i32
        %dma_start3A_264 = tpu.memref_slice %arg21[%dma_start3A_263] : memref<832xf32, #tpu.memory_space<vmem>> -> memref<800xf32, #tpu.memory_space<vmem>>
        %dma_start3A_265 = tpu.memref_slice %arg5[%mul3A_243] : memref<320000xf32, #tpu.memory_space<hbm>> -> memref<800xf32, #tpu.memory_space<hbm>>
        %dma_start3A_266 = tpu.memref_slice %arg25[%dma_start3A_262] : memref<2x!tpu.dma_semaphore, #tpu.memory_space<semaphore_mem>> -> memref<1x!tpu.dma_semaphore, #tpu.memory_space<semaphore_mem>>
        %dma_start3A_267 = tpu.memref_squeeze %dma_start3A_266 : memref<1x!tpu.dma_semaphore, #tpu.memory_space<semaphore_mem>> -> memref<!tpu.dma_semaphore, #tpu.memory_space<semaphore_mem>>
        %dma_start3A_268 = arith.constant 0 : i32
        %dma_start3A_269 = tpu.memref_slice %arg21[%dma_start3A_268] : memref<832xf32, #tpu.memory_space<vmem>> -> memref<800xf32, #tpu.memory_space<vmem>>
        %dma_start3A_270 = tpu.memref_slice %arg5[%mul3A_243] : memref<320000xf32, #tpu.memory_space<hbm>> -> memref<800xf32, #tpu.memory_space<hbm>>
        tpu.enqueue_dma source(%dma_start3A_270 : memref<800xf32, #tpu.memory_space<hbm>>) target(%dma_start3A_269 : memref<800xf32, #tpu.memory_space<vmem>>) target_semaphore(%dma_start3A_267 : memref<!tpu.dma_semaphore, #tpu.memory_space<semaphore_mem>>)
      } else {
      }
      %add3A_203 = arith.constant 1 : i32
      %add3A_204 = arith.addi %mul3A_96, %add3A_203 : i32
      %get3A_205 = arith.constant 0 : index
      %get3A_206 = tpu.vector_load %arg18[%get3A_205] {strides = array<i32>} : memref<832xi32, #tpu.memory_space<vmem>>, vector<16xi32>,
      %get3A_207 = arith.constant 0 : index
      %get3A_208 = tpu.vector_load %arg20[%get3A_207] {strides = array<i32>} : memref<832xi32, #tpu.memory_space<vmem>>, vector<16xi32>,
      %get3A_209 = arith.constant 0 : index
      %get3A_210 = tpu.vector_load %arg22[%get3A_209] {strides = array<i32>} : memref<832xf32, #tpu.memory_space<vmem>>, vector<16xf32>,
      %get3A_211 = arith.constant 16 : index
      %get3A_212 = tpu.vector_load %arg18[%get3A_211] {strides = array<i32>} : memref<832xi32, #tpu.memory_space<vmem>>, vector<16xi32>,
      %get3A_213 = arith.constant 16 : index
      %get3A_214 = tpu.vector_load %arg20[%get3A_213] {strides = array<i32>} : memref<832xi32, #tpu.memory_space<vmem>>, vector<16xi32>,
      %get3A_215 = arith.constant 16 : index
      %get3A_216 = tpu.vector_load %arg22[%get3A_215] {strides = array<i32>} : memref<832xf32, #tpu.memory_space<vmem>>, vector<16xf32>,
      tpu.vector_store_idx %arg23[%get3A_208], %iota3A : memref<10000xi32, #tpu.memory_space<vmem>>[vector<16xi32>], vector<16xi32>,
      %gather3A_217 = tpu.vector_load_idx %arg23[%get3A_208] : memref<10000xi32, #tpu.memory_space<vmem>>[vector<16xi32>], vector<16xi32>,
      tpu.vector_store_idx %arg24[%get3A_214], %iota3A : memref<10000xi32, #tpu.memory_space<vmem>>[vector<16xi32>], vector<16xi32>,
      %gather3A_218 = tpu.vector_load_idx %arg24[%get3A_214] : memref<10000xi32, #tpu.memory_space<vmem>>[vector<16xi32>], vector<16xi32>,
      %gather3A_219 = tpu.vector_load_idx %arg7[%get3A_206] : memref<10000xi32, #tpu.memory_space<vmem>>[vector<16xi32>], vector<16xi32>,
      %gather3A_220 = tpu.vector_load_idx %arg8[%get3A_206] : memref<10000xi32, #tpu.memory_space<vmem>>[vector<16xi32>], vector<16xi32>,
      %gather3A_221 = tpu.vector_load_idx %arg7[%get3A_212] : memref<10000xi32, #tpu.memory_space<vmem>>[vector<16xi32>], vector<16xi32>,
      %gather3A_222 = tpu.vector_load_idx %arg8[%get3A_212] : memref<10000xi32, #tpu.memory_space<vmem>>[vector<16xi32>], vector<16xi32>,
      %ne3A_223 = arith.cmpi ne, %gather3A_217, %iota3A : vector<16xi32>
      %ne3A_224 = arith.cmpi ne, %gather3A_218, %iota3A : vector<16xi32>
      %or3A_225 = arith.ori %ne3A_223, %ne3A_224 : vector<16xi1>
      %all_reduce_population_count3A_226 = tpu.all_reduce %or3A_225 {dim = 0 : i64, kind = #tpu.reduction_kind<sum>} : vector<16xi1> -> vector<16xi32>
      %slice3A_227 = vector.extract_strided_slice %all_reduce_population_count3A_226 {offsets = [0], sizes = [1], strides = [1]} : vector<16xi32> to vector<1xi32>
      %squeeze3A_228 = vector.extract %slice3A_227[0] : i32 from vector<1xi32>
      %gt3A_229 = arith.constant 0 : i32
      %gt3A_230 = arith.cmpi sgt, %squeeze3A_228, %gt3A_229 : i32
      %scan3A_231 = arith.constant 0 : i32
      %scan3A_232 = arith.constant 25 : i32
      %scan3A_233 = arith.addi %scan3A_231, %scan3A_232 : i32
      %scan3A_234 = arith.constant 1 : i32
      %scan3A_235:9 = scf.for %scan3A_238 = %scan3A_231 to %scan3A_233 step %scan3A_234 iter_args(%scan3A_239 = %get3A_208, %scan3A_240 = %get3A_214, %scan3A_241 = %get3A_210, %scan3A_242 = %get3A_216, %scan3A_243 = %gather3A_219, %scan3A_244 = %gather3A_220, %scan3A_245 = %gather3A_221, %scan3A_246 = %gather3A_222, %scan3A_247 = %gt3A_230) -> (vector<16xi32>, vector<16xi32>, vector<16xf32>, vector<16xf32>, vector<16xi32>, vector<16xi32>, vector<16xi32>, vector<16xi32>, i1)  : i32 {
        %shift_left3A = arith.constant 16 : i32
        %shift_left3A_248 = vector.broadcast %shift_left3A : i32 to vector<16xi32>
        %shift_left3A_249 = arith.shli %scan3A_243, %shift_left3A_248 : vector<16xi32>
        %bitcast_convert_type3A = tpu.bitcast %shift_left3A_249 : vector<16xi32> -> vector<16xf32>
        %mul3A_250 = arith.mulf %scan3A_241, %bitcast_convert_type3A : vector<16xf32>
        %shift_left3A_251 = arith.constant 16 : i32
        %shift_left3A_252 = vector.broadcast %shift_left3A_251 : i32 to vector<16xi32>
        %shift_left3A_253 = arith.shli %scan3A_244, %shift_left3A_252 : vector<16xi32>
        %bitcast_convert_type3A_254 = tpu.bitcast %shift_left3A_253 : vector<16xi32> -> vector<16xf32>
        %mul3A_255 = arith.mulf %scan3A_241, %bitcast_convert_type3A_254 : vector<16xf32>
        %and3A = arith.constant -65536 : i32
        %and3A_256 = vector.broadcast %and3A : i32 to vector<16xi32>
        %and3A_257 = arith.andi %scan3A_243, %and3A_256 : vector<16xi32>
        %bitcast_convert_type3A_258 = tpu.bitcast %and3A_257 : vector<16xi32> -> vector<16xf32>
        %mul3A_259 = arith.mulf %scan3A_241, %bitcast_convert_type3A_258 : vector<16xf32>
        %and3A_260 = arith.constant -65536 : i32
        %and3A_261 = vector.broadcast %and3A_260 : i32 to vector<16xi32>
        %and3A_262 = arith.andi %scan3A_244, %and3A_261 : vector<16xi32>
        %bitcast_convert_type3A_263 = tpu.bitcast %and3A_262 : vector<16xi32> -> vector<16xf32>
        %mul3A_264 = arith.mulf %scan3A_241, %bitcast_convert_type3A_263 : vector<16xf32>
        %shift_left3A_265 = arith.constant 16 : i32
        %shift_left3A_266 = vector.broadcast %shift_left3A_265 : i32 to vector<16xi32>
        %shift_left3A_267 = arith.shli %scan3A_245, %shift_left3A_266 : vector<16xi32>
        %bitcast_convert_type3A_268 = tpu.bitcast %shift_left3A_267 : vector<16xi32> -> vector<16xf32>
        %mul3A_269 = arith.mulf %scan3A_242, %bitcast_convert_type3A_268 : vector<16xf32>
        %shift_left3A_270 = arith.constant 16 : i32
        %shift_left3A_271 = vector.broadcast %shift_left3A_270 : i32 to vector<16xi32>
        %shift_left3A_272 = arith.shli %scan3A_246, %shift_left3A_271 : vector<16xi32>
        %bitcast_convert_type3A_273 = tpu.bitcast %shift_left3A_272 : vector<16xi32> -> vector<16xf32>
        %mul3A_274 = arith.mulf %scan3A_242, %bitcast_convert_type3A_273 : vector<16xf32>
        %and3A_275 = arith.constant -65536 : i32
        %and3A_276 = vector.broadcast %and3A_275 : i32 to vector<16xi32>
        %and3A_277 = arith.andi %scan3A_245, %and3A_276 : vector<16xi32>
        %bitcast_convert_type3A_278 = tpu.bitcast %and3A_277 : vector<16xi32> -> vector<16xf32>
        %mul3A_279 = arith.mulf %scan3A_242, %bitcast_convert_type3A_278 : vector<16xf32>
        %and3A_280 = arith.constant -65536 : i32
        %and3A_281 = vector.broadcast %and3A_280 : i32 to vector<16xi32>
        %and3A_282 = arith.andi %scan3A_246, %and3A_281 : vector<16xi32>
        %bitcast_convert_type3A_283 = tpu.bitcast %and3A_282 : vector<16xi32> -> vector<16xf32>
        %mul3A_284 = arith.mulf %scan3A_242, %bitcast_convert_type3A_283 : vector<16xf32>
        %gather3A_285 = tpu.vector_load_idx %arg9[%scan3A_239] : memref<10000xf32, #tpu.memory_space<vmem>>[vector<16xi32>], vector<16xf32>,
        %gather3A_286 = tpu.vector_load_idx %arg10[%scan3A_239] : memref<10000xf32, #tpu.memory_space<vmem>>[vector<16xi32>], vector<16xf32>,
        %gather3A_287 = tpu.vector_load_idx %arg11[%scan3A_239] : memref<10000xf32, #tpu.memory_space<vmem>>[vector<16xi32>], vector<16xf32>,
        %gather3A_288 = tpu.vector_load_idx %arg12[%scan3A_239] : memref<10000xf32, #tpu.memory_space<vmem>>[vector<16xi32>], vector<16xf32>,
        %gather3A_289 = tpu.vector_load_idx %arg13[%scan3A_240] : memref<10000xf32, #tpu.memory_space<vmem>>[vector<16xi32>], vector<16xf32>,
        %gather3A_290 = tpu.vector_load_idx %arg14[%scan3A_240] : memref<10000xf32, #tpu.memory_space<vmem>>[vector<16xi32>], vector<16xf32>,
        %gather3A_291 = tpu.vector_load_idx %arg15[%scan3A_240] : memref<10000xf32, #tpu.memory_space<vmem>>[vector<16xi32>], vector<16xf32>,
        %gather3A_292 = tpu.vector_load_idx %arg16[%scan3A_240] : memref<10000xf32, #tpu.memory_space<vmem>>[vector<16xi32>], vector<16xf32>,
        %add3A_293 = arith.constant 1 : i32
        %add3A_294 = arith.addi %scan3A_238, %add3A_293 : i32
        %mul3A_295 = arith.constant 2 : i32
        %mul3A_296 = arith.muli %mul3A_295, %add3A_294 : i32
        %add3A_297 = arith.constant 0 : i32
        %add3A_298 = arith.addi %mul3A_296, %add3A_297 : i32
        %mul3A_299 = arith.constant 16 : i32
        %mul3A_300 = arith.muli %add3A_298, %mul3A_299 : i32
        %get3A_301 = arith.index_cast %mul3A_300 : i32 to index
        %get3A_302 = tpu.vector_load %arg18[%get3A_301] {strides = array<i32>} : memref<832xi32, #tpu.memory_space<vmem>>, vector<16xi32>,
        %get3A_303 = arith.index_cast %mul3A_300 : i32 to index
        %get3A_304 = tpu.vector_load %arg20[%get3A_303] {strides = array<i32>} : memref<832xi32, #tpu.memory_space<vmem>>, vector<16xi32>,
        %get3A_305 = arith.index_cast %mul3A_300 : i32 to index
        %get3A_306 = tpu.vector_load %arg22[%get3A_305] {strides = array<i32>} : memref<832xf32, #tpu.memory_space<vmem>>, vector<16xf32>,
        %mul3A_307 = arith.constant 2 : i32
        %mul3A_308 = arith.muli %mul3A_307, %add3A_294 : i32
        %add3A_309 = arith.constant 1 : i32
        %add3A_310 = arith.addi %mul3A_308, %add3A_309 : i32
        %mul3A_311 = arith.constant 16 : i32
        %mul3A_312 = arith.muli %add3A_310, %mul3A_311 : i32
        %get3A_313 = arith.index_cast %mul3A_312 : i32 to index
        %get3A_314 = tpu.vector_load %arg18[%get3A_313] {strides = array<i32>} : memref<832xi32, #tpu.memory_space<vmem>>, vector<16xi32>,
        %get3A_315 = arith.index_cast %mul3A_312 : i32 to index
        %get3A_316 = tpu.vector_load %arg20[%get3A_315] {strides = array<i32>} : memref<832xi32, #tpu.memory_space<vmem>>, vector<16xi32>,
        %get3A_317 = arith.index_cast %mul3A_312 : i32 to index
        %get3A_318 = tpu.vector_load %arg22[%get3A_317] {strides = array<i32>} : memref<832xf32, #tpu.memory_space<vmem>>, vector<16xf32>,
        tpu.vector_store_idx %arg23[%get3A_304], %iota3A : memref<10000xi32, #tpu.memory_space<vmem>>[vector<16xi32>], vector<16xi32>,
        %gather3A_319 = tpu.vector_load_idx %arg23[%get3A_304] : memref<10000xi32, #tpu.memory_space<vmem>>[vector<16xi32>], vector<16xi32>,
        tpu.vector_store_idx %arg24[%get3A_316], %iota3A : memref<10000xi32, #tpu.memory_space<vmem>>[vector<16xi32>], vector<16xi32>,
        %gather3A_320 = tpu.vector_load_idx %arg24[%get3A_316] : memref<10000xi32, #tpu.memory_space<vmem>>[vector<16xi32>], vector<16xi32>,
        %gather3A_321 = tpu.vector_load_idx %arg7[%get3A_302] : memref<10000xi32, #tpu.memory_space<vmem>>[vector<16xi32>], vector<16xi32>,
        %gather3A_322 = tpu.vector_load_idx %arg8[%get3A_302] : memref<10000xi32, #tpu.memory_space<vmem>>[vector<16xi32>], vector<16xi32>,
        %gather3A_323 = tpu.vector_load_idx %arg7[%get3A_314] : memref<10000xi32, #tpu.memory_space<vmem>>[vector<16xi32>], vector<16xi32>,
        %gather3A_324 = tpu.vector_load_idx %arg8[%get3A_314] : memref<10000xi32, #tpu.memory_space<vmem>>[vector<16xi32>], vector<16xi32>,
        %ne3A_325 = arith.cmpi ne, %gather3A_319, %iota3A : vector<16xi32>
        %ne3A_326 = arith.cmpi ne, %gather3A_320, %iota3A : vector<16xi32>
        %or3A_327 = arith.ori %ne3A_325, %ne3A_326 : vector<16xi1>
        %all_reduce_population_count3A_328 = tpu.all_reduce %or3A_327 {dim = 0 : i64, kind = #tpu.reduction_kind<sum>} : vector<16xi1> -> vector<16xi32>
        %slice3A_329 = vector.extract_strided_slice %all_reduce_population_count3A_328 {offsets = [0], sizes = [1], strides = [1]} : vector<16xi32> to vector<1xi32>
        %squeeze3A_330 = vector.extract %slice3A_329[0] : i32 from vector<1xi32>
        %gt3A_331 = arith.constant 0 : i32
        %gt3A_332 = arith.cmpi sgt, %squeeze3A_330, %gt3A_331 : i32
        %max3A = arith.maximumf %gather3A_285, %mul3A_250 : vector<16xf32>
        %max3A_333 = arith.maximumf %gather3A_286, %mul3A_255 : vector<16xf32>
        %max3A_334 = arith.maximumf %gather3A_287, %mul3A_259 : vector<16xf32>
        %max3A_335 = arith.maximumf %gather3A_288, %mul3A_264 : vector<16xf32>
        %max3A_336 = arith.maximumf %gather3A_289, %mul3A_269 : vector<16xf32>
        %max3A_337 = arith.maximumf %gather3A_290, %mul3A_274 : vector<16xf32>
        %max3A_338 = arith.maximumf %gather3A_291, %mul3A_279 : vector<16xf32>
        %max3A_339 = arith.maximumf %gather3A_292, %mul3A_284 : vector<16xf32>
        tpu.vector_store_idx %arg9[%scan3A_239], %max3A : memref<10000xf32, #tpu.memory_space<vmem>>[vector<16xi32>], vector<16xf32>,
        tpu.vector_store_idx %arg13[%scan3A_240], %max3A_336 : memref<10000xf32, #tpu.memory_space<vmem>>[vector<16xi32>], vector<16xf32>,
        tpu.vector_store_idx %arg10[%scan3A_239], %max3A_333 : memref<10000xf32, #tpu.memory_space<vmem>>[vector<16xi32>], vector<16xf32>,
        tpu.vector_store_idx %arg14[%scan3A_240], %max3A_337 : memref<10000xf32, #tpu.memory_space<vmem>>[vector<16xi32>], vector<16xf32>,
        tpu.vector_store_idx %arg11[%scan3A_239], %max3A_334 : memref<10000xf32, #tpu.memory_space<vmem>>[vector<16xi32>], vector<16xf32>,
        tpu.vector_store_idx %arg15[%scan3A_240], %max3A_338 : memref<10000xf32, #tpu.memory_space<vmem>>[vector<16xi32>], vector<16xf32>,
        tpu.vector_store_idx %arg12[%scan3A_239], %max3A_335 : memref<10000xf32, #tpu.memory_space<vmem>>[vector<16xi32>], vector<16xf32>,
        tpu.vector_store_idx %arg16[%scan3A_240], %max3A_339 : memref<10000xf32, #tpu.memory_space<vmem>>[vector<16xi32>], vector<16xf32>,
        %convert_element_type3A_340 = arith.extui %scan3A_247 : i1 to i32
        %cond3A_341 = arith.constant 0 : i32
        %cond3A_342 = arith.cmpi ne, %convert_element_type3A_340, %cond3A_341 : i32
        scf.if %cond3A_342 {
          %broadcast_in_dim3A_343 = arith.constant true
          %broadcast_in_dim3A_344 = vector.broadcast %broadcast_in_dim3A_343 : i1 to vector<16xi1>
          %while3A = scf.while (%while3A_366 = %broadcast_in_dim3A_344) : (vector<16xi1>) -> vector<16xi1> {
            %reduce_or3A = arith.constant 1.000000e+00 : f32
            %reduce_or3A_367 = arith.constant 0.000000e+00 : f32
            %reduce_or3A_368 = vector.broadcast %reduce_or3A : f32 to vector<16xf32>
            %reduce_or3A_369 = vector.broadcast %reduce_or3A_367 : f32 to vector<16xf32>
            %reduce_or3A_370 = arith.select %while3A_366, %reduce_or3A_368, %reduce_or3A_369 : vector<16xi1>, vector<16xf32>
            %reduce_or3A_371 = arith.constant true
            %reduce_or3A_372 = vector.broadcast %reduce_or3A_371 : i1 to vector<16xi1>
            %reduce_or3A_373 = tpu.scan <max>, %reduce_or3A_370 masked %reduce_or3A_372 : vector<16xf32>, vector<16xi1> -> vector<16xf32>
            %reduce_or3A_374 = vector.extract %reduce_or3A_373[15] : f32 from vector<16xf32>
            %reduce_or3A_375 = arith.constant 0.000000e+00 : f32
            %reduce_or3A_376 = arith.cmpf ogt, %reduce_or3A_374, %reduce_or3A_375 : f32
            scf.condition(%reduce_or3A_376) %while3A_366 : vector<16xi1>
          } do {
          ^bb0(%while3A_366: vector<16xi1>):
            %gather3A_367 = tpu.vector_load_idx %arg9[%scan3A_239] : memref<10000xf32, #tpu.memory_space<vmem>>[vector<16xi32>], vector<16xf32>,
            %max3A_368 = arith.maximumf %gather3A_367, %mul3A_250 : vector<16xf32>
            tpu.vector_store_idx %arg9[%scan3A_239], %max3A_368 masked %while3A_366 : memref<10000xf32, #tpu.memory_space<vmem>>[vector<16xi32>], vector<16xf32>, vector<16xi1>
            %gather3A_369 = tpu.vector_load_idx %arg9[%scan3A_239] : memref<10000xf32, #tpu.memory_space<vmem>>[vector<16xi32>], vector<16xf32>,
            %lt3A_370 = arith.cmpf olt, %gather3A_369, %mul3A_250 : vector<16xf32>
            %and3A_371 = arith.andi %while3A_366, %lt3A_370 : vector<16xi1>
            scf.yield %and3A_371 : vector<16xi1>
          }
          %broadcast_in_dim3A_345 = arith.constant true
          %broadcast_in_dim3A_346 = vector.broadcast %broadcast_in_dim3A_345 : i1 to vector<16xi1>
          %while3A_347 = scf.while (%while3A_366 = %broadcast_in_dim3A_346) : (vector<16xi1>) -> vector<16xi1> {
            %reduce_or3A = arith.constant 1.000000e+00 : f32
            %reduce_or3A_367 = arith.constant 0.000000e+00 : f32
            %reduce_or3A_368 = vector.broadcast %reduce_or3A : f32 to vector<16xf32>
            %reduce_or3A_369 = vector.broadcast %reduce_or3A_367 : f32 to vector<16xf32>
            %reduce_or3A_370 = arith.select %while3A_366, %reduce_or3A_368, %reduce_or3A_369 : vector<16xi1>, vector<16xf32>
            %reduce_or3A_371 = arith.constant true
            %reduce_or3A_372 = vector.broadcast %reduce_or3A_371 : i1 to vector<16xi1>
            %reduce_or3A_373 = tpu.scan <max>, %reduce_or3A_370 masked %reduce_or3A_372 : vector<16xf32>, vector<16xi1> -> vector<16xf32>
            %reduce_or3A_374 = vector.extract %reduce_or3A_373[15] : f32 from vector<16xf32>
            %reduce_or3A_375 = arith.constant 0.000000e+00 : f32
            %reduce_or3A_376 = arith.cmpf ogt, %reduce_or3A_374, %reduce_or3A_375 : f32
            scf.condition(%reduce_or3A_376) %while3A_366 : vector<16xi1>
          } do {
          ^bb0(%while3A_366: vector<16xi1>):
            %gather3A_367 = tpu.vector_load_idx %arg10[%scan3A_239] : memref<10000xf32, #tpu.memory_space<vmem>>[vector<16xi32>], vector<16xf32>,
            %max3A_368 = arith.maximumf %gather3A_367, %mul3A_255 : vector<16xf32>
            tpu.vector_store_idx %arg10[%scan3A_239], %max3A_368 masked %while3A_366 : memref<10000xf32, #tpu.memory_space<vmem>>[vector<16xi32>], vector<16xf32>, vector<16xi1>
            %gather3A_369 = tpu.vector_load_idx %arg10[%scan3A_239] : memref<10000xf32, #tpu.memory_space<vmem>>[vector<16xi32>], vector<16xf32>,
            %lt3A_370 = arith.cmpf olt, %gather3A_369, %mul3A_255 : vector<16xf32>
            %and3A_371 = arith.andi %while3A_366, %lt3A_370 : vector<16xi1>
            scf.yield %and3A_371 : vector<16xi1>
          }
          %broadcast_in_dim3A_348 = arith.constant true
          %broadcast_in_dim3A_349 = vector.broadcast %broadcast_in_dim3A_348 : i1 to vector<16xi1>
          %while3A_350 = scf.while (%while3A_366 = %broadcast_in_dim3A_349) : (vector<16xi1>) -> vector<16xi1> {
            %reduce_or3A = arith.constant 1.000000e+00 : f32
            %reduce_or3A_367 = arith.constant 0.000000e+00 : f32
            %reduce_or3A_368 = vector.broadcast %reduce_or3A : f32 to vector<16xf32>
            %reduce_or3A_369 = vector.broadcast %reduce_or3A_367 : f32 to vector<16xf32>
            %reduce_or3A_370 = arith.select %while3A_366, %reduce_or3A_368, %reduce_or3A_369 : vector<16xi1>, vector<16xf32>
            %reduce_or3A_371 = arith.constant true
            %reduce_or3A_372 = vector.broadcast %reduce_or3A_371 : i1 to vector<16xi1>
            %reduce_or3A_373 = tpu.scan <max>, %reduce_or3A_370 masked %reduce_or3A_372 : vector<16xf32>, vector<16xi1> -> vector<16xf32>
            %reduce_or3A_374 = vector.extract %reduce_or3A_373[15] : f32 from vector<16xf32>
            %reduce_or3A_375 = arith.constant 0.000000e+00 : f32
            %reduce_or3A_376 = arith.cmpf ogt, %reduce_or3A_374, %reduce_or3A_375 : f32
            scf.condition(%reduce_or3A_376) %while3A_366 : vector<16xi1>
          } do {
          ^bb0(%while3A_366: vector<16xi1>):
            %gather3A_367 = tpu.vector_load_idx %arg11[%scan3A_239] : memref<10000xf32, #tpu.memory_space<vmem>>[vector<16xi32>], vector<16xf32>,
            %max3A_368 = arith.maximumf %gather3A_367, %mul3A_259 : vector<16xf32>
            tpu.vector_store_idx %arg11[%scan3A_239], %max3A_368 masked %while3A_366 : memref<10000xf32, #tpu.memory_space<vmem>>[vector<16xi32>], vector<16xf32>, vector<16xi1>
            %gather3A_369 = tpu.vector_load_idx %arg11[%scan3A_239] : memref<10000xf32, #tpu.memory_space<vmem>>[vector<16xi32>], vector<16xf32>,
            %lt3A_370 = arith.cmpf olt, %gather3A_369, %mul3A_259 : vector<16xf32>
            %and3A_371 = arith.andi %while3A_366, %lt3A_370 : vector<16xi1>
            scf.yield %and3A_371 : vector<16xi1>
          }
          %broadcast_in_dim3A_351 = arith.constant true
          %broadcast_in_dim3A_352 = vector.broadcast %broadcast_in_dim3A_351 : i1 to vector<16xi1>
          %while3A_353 = scf.while (%while3A_366 = %broadcast_in_dim3A_352) : (vector<16xi1>) -> vector<16xi1> {
            %reduce_or3A = arith.constant 1.000000e+00 : f32
            %reduce_or3A_367 = arith.constant 0.000000e+00 : f32
            %reduce_or3A_368 = vector.broadcast %reduce_or3A : f32 to vector<16xf32>
            %reduce_or3A_369 = vector.broadcast %reduce_or3A_367 : f32 to vector<16xf32>
            %reduce_or3A_370 = arith.select %while3A_366, %reduce_or3A_368, %reduce_or3A_369 : vector<16xi1>, vector<16xf32>
            %reduce_or3A_371 = arith.constant true
            %reduce_or3A_372 = vector.broadcast %reduce_or3A_371 : i1 to vector<16xi1>
            %reduce_or3A_373 = tpu.scan <max>, %reduce_or3A_370 masked %reduce_or3A_372 : vector<16xf32>, vector<16xi1> -> vector<16xf32>
            %reduce_or3A_374 = vector.extract %reduce_or3A_373[15] : f32 from vector<16xf32>
            %reduce_or3A_375 = arith.constant 0.000000e+00 : f32
            %reduce_or3A_376 = arith.cmpf ogt, %reduce_or3A_374, %reduce_or3A_375 : f32
            scf.condition(%reduce_or3A_376) %while3A_366 : vector<16xi1>
          } do {
          ^bb0(%while3A_366: vector<16xi1>):
            %gather3A_367 = tpu.vector_load_idx %arg12[%scan3A_239] : memref<10000xf32, #tpu.memory_space<vmem>>[vector<16xi32>], vector<16xf32>,
            %max3A_368 = arith.maximumf %gather3A_367, %mul3A_264 : vector<16xf32>
            tpu.vector_store_idx %arg12[%scan3A_239], %max3A_368 masked %while3A_366 : memref<10000xf32, #tpu.memory_space<vmem>>[vector<16xi32>], vector<16xf32>, vector<16xi1>
            %gather3A_369 = tpu.vector_load_idx %arg12[%scan3A_239] : memref<10000xf32, #tpu.memory_space<vmem>>[vector<16xi32>], vector<16xf32>,
            %lt3A_370 = arith.cmpf olt, %gather3A_369, %mul3A_264 : vector<16xf32>
            %and3A_371 = arith.andi %while3A_366, %lt3A_370 : vector<16xi1>
            scf.yield %and3A_371 : vector<16xi1>
          }
          %broadcast_in_dim3A_354 = arith.constant true
          %broadcast_in_dim3A_355 = vector.broadcast %broadcast_in_dim3A_354 : i1 to vector<16xi1>
          %while3A_356 = scf.while (%while3A_366 = %broadcast_in_dim3A_355) : (vector<16xi1>) -> vector<16xi1> {
            %reduce_or3A = arith.constant 1.000000e+00 : f32
            %reduce_or3A_367 = arith.constant 0.000000e+00 : f32
            %reduce_or3A_368 = vector.broadcast %reduce_or3A : f32 to vector<16xf32>
            %reduce_or3A_369 = vector.broadcast %reduce_or3A_367 : f32 to vector<16xf32>
            %reduce_or3A_370 = arith.select %while3A_366, %reduce_or3A_368, %reduce_or3A_369 : vector<16xi1>, vector<16xf32>
            %reduce_or3A_371 = arith.constant true
            %reduce_or3A_372 = vector.broadcast %reduce_or3A_371 : i1 to vector<16xi1>
            %reduce_or3A_373 = tpu.scan <max>, %reduce_or3A_370 masked %reduce_or3A_372 : vector<16xf32>, vector<16xi1> -> vector<16xf32>
            %reduce_or3A_374 = vector.extract %reduce_or3A_373[15] : f32 from vector<16xf32>
            %reduce_or3A_375 = arith.constant 0.000000e+00 : f32
            %reduce_or3A_376 = arith.cmpf ogt, %reduce_or3A_374, %reduce_or3A_375 : f32
            scf.condition(%reduce_or3A_376) %while3A_366 : vector<16xi1>
          } do {
          ^bb0(%while3A_366: vector<16xi1>):
            %gather3A_367 = tpu.vector_load_idx %arg13[%scan3A_240] : memref<10000xf32, #tpu.memory_space<vmem>>[vector<16xi32>], vector<16xf32>,
            %max3A_368 = arith.maximumf %gather3A_367, %mul3A_269 : vector<16xf32>
            tpu.vector_store_idx %arg13[%scan3A_240], %max3A_368 masked %while3A_366 : memref<10000xf32, #tpu.memory_space<vmem>>[vector<16xi32>], vector<16xf32>, vector<16xi1>
            %gather3A_369 = tpu.vector_load_idx %arg13[%scan3A_240] : memref<10000xf32, #tpu.memory_space<vmem>>[vector<16xi32>], vector<16xf32>,
            %lt3A_370 = arith.cmpf olt, %gather3A_369, %mul3A_269 : vector<16xf32>
            %and3A_371 = arith.andi %while3A_366, %lt3A_370 : vector<16xi1>
            scf.yield %and3A_371 : vector<16xi1>
          }
          %broadcast_in_dim3A_357 = arith.constant true
          %broadcast_in_dim3A_358 = vector.broadcast %broadcast_in_dim3A_357 : i1 to vector<16xi1>
          %while3A_359 = scf.while (%while3A_366 = %broadcast_in_dim3A_358) : (vector<16xi1>) -> vector<16xi1> {
            %reduce_or3A = arith.constant 1.000000e+00 : f32
            %reduce_or3A_367 = arith.constant 0.000000e+00 : f32
            %reduce_or3A_368 = vector.broadcast %reduce_or3A : f32 to vector<16xf32>
            %reduce_or3A_369 = vector.broadcast %reduce_or3A_367 : f32 to vector<16xf32>
            %reduce_or3A_370 = arith.select %while3A_366, %reduce_or3A_368, %reduce_or3A_369 : vector<16xi1>, vector<16xf32>
            %reduce_or3A_371 = arith.constant true
            %reduce_or3A_372 = vector.broadcast %reduce_or3A_371 : i1 to vector<16xi1>
            %reduce_or3A_373 = tpu.scan <max>, %reduce_or3A_370 masked %reduce_or3A_372 : vector<16xf32>, vector<16xi1> -> vector<16xf32>
            %reduce_or3A_374 = vector.extract %reduce_or3A_373[15] : f32 from vector<16xf32>
            %reduce_or3A_375 = arith.constant 0.000000e+00 : f32
            %reduce_or3A_376 = arith.cmpf ogt, %reduce_or3A_374, %reduce_or3A_375 : f32
            scf.condition(%reduce_or3A_376) %while3A_366 : vector<16xi1>
          } do {
          ^bb0(%while3A_366: vector<16xi1>):
            %gather3A_367 = tpu.vector_load_idx %arg14[%scan3A_240] : memref<10000xf32, #tpu.memory_space<vmem>>[vector<16xi32>], vector<16xf32>,
            %max3A_368 = arith.maximumf %gather3A_367, %mul3A_274 : vector<16xf32>
            tpu.vector_store_idx %arg14[%scan3A_240], %max3A_368 masked %while3A_366 : memref<10000xf32, #tpu.memory_space<vmem>>[vector<16xi32>], vector<16xf32>, vector<16xi1>
            %gather3A_369 = tpu.vector_load_idx %arg14[%scan3A_240] : memref<10000xf32, #tpu.memory_space<vmem>>[vector<16xi32>], vector<16xf32>,
            %lt3A_370 = arith.cmpf olt, %gather3A_369, %mul3A_274 : vector<16xf32>
            %and3A_371 = arith.andi %while3A_366, %lt3A_370 : vector<16xi1>
            scf.yield %and3A_371 : vector<16xi1>
          }
          %broadcast_in_dim3A_360 = arith.constant true
          %broadcast_in_dim3A_361 = vector.broadcast %broadcast_in_dim3A_360 : i1 to vector<16xi1>
          %while3A_362 = scf.while (%while3A_366 = %broadcast_in_dim3A_361) : (vector<16xi1>) -> vector<16xi1> {
            %reduce_or3A = arith.constant 1.000000e+00 : f32
            %reduce_or3A_367 = arith.constant 0.000000e+00 : f32
            %reduce_or3A_368 = vector.broadcast %reduce_or3A : f32 to vector<16xf32>
            %reduce_or3A_369 = vector.broadcast %reduce_or3A_367 : f32 to vector<16xf32>
            %reduce_or3A_370 = arith.select %while3A_366, %reduce_or3A_368, %reduce_or3A_369 : vector<16xi1>, vector<16xf32>
            %reduce_or3A_371 = arith.constant true
            %reduce_or3A_372 = vector.broadcast %reduce_or3A_371 : i1 to vector<16xi1>
            %reduce_or3A_373 = tpu.scan <max>, %reduce_or3A_370 masked %reduce_or3A_372 : vector<16xf32>, vector<16xi1> -> vector<16xf32>
            %reduce_or3A_374 = vector.extract %reduce_or3A_373[15] : f32 from vector<16xf32>
            %reduce_or3A_375 = arith.constant 0.000000e+00 : f32
            %reduce_or3A_376 = arith.cmpf ogt, %reduce_or3A_374, %reduce_or3A_375 : f32
            scf.condition(%reduce_or3A_376) %while3A_366 : vector<16xi1>
          } do {
          ^bb0(%while3A_366: vector<16xi1>):
            %gather3A_367 = tpu.vector_load_idx %arg15[%scan3A_240] : memref<10000xf32, #tpu.memory_space<vmem>>[vector<16xi32>], vector<16xf32>,
            %max3A_368 = arith.maximumf %gather3A_367, %mul3A_279 : vector<16xf32>
            tpu.vector_store_idx %arg15[%scan3A_240], %max3A_368 masked %while3A_366 : memref<10000xf32, #tpu.memory_space<vmem>>[vector<16xi32>], vector<16xf32>, vector<16xi1>
            %gather3A_369 = tpu.vector_load_idx %arg15[%scan3A_240] : memref<10000xf32, #tpu.memory_space<vmem>>[vector<16xi32>], vector<16xf32>,
            %lt3A_370 = arith.cmpf olt, %gather3A_369, %mul3A_279 : vector<16xf32>
            %and3A_371 = arith.andi %while3A_366, %lt3A_370 : vector<16xi1>
            scf.yield %and3A_371 : vector<16xi1>
          }
          %broadcast_in_dim3A_363 = arith.constant true
          %broadcast_in_dim3A_364 = vector.broadcast %broadcast_in_dim3A_363 : i1 to vector<16xi1>
          %while3A_365 = scf.while (%while3A_366 = %broadcast_in_dim3A_364) : (vector<16xi1>) -> vector<16xi1> {
            %reduce_or3A = arith.constant 1.000000e+00 : f32
            %reduce_or3A_367 = arith.constant 0.000000e+00 : f32
            %reduce_or3A_368 = vector.broadcast %reduce_or3A : f32 to vector<16xf32>
            %reduce_or3A_369 = vector.broadcast %reduce_or3A_367 : f32 to vector<16xf32>
            %reduce_or3A_370 = arith.select %while3A_366, %reduce_or3A_368, %reduce_or3A_369 : vector<16xi1>, vector<16xf32>
            %reduce_or3A_371 = arith.constant true
            %reduce_or3A_372 = vector.broadcast %reduce_or3A_371 : i1 to vector<16xi1>
            %reduce_or3A_373 = tpu.scan <max>, %reduce_or3A_370 masked %reduce_or3A_372 : vector<16xf32>, vector<16xi1> -> vector<16xf32>
            %reduce_or3A_374 = vector.extract %reduce_or3A_373[15] : f32 from vector<16xf32>
            %reduce_or3A_375 = arith.constant 0.000000e+00 : f32
            %reduce_or3A_376 = arith.cmpf ogt, %reduce_or3A_374, %reduce_or3A_375 : f32
            scf.condition(%reduce_or3A_376) %while3A_366 : vector<16xi1>
          } do {
          ^bb0(%while3A_366: vector<16xi1>):
            %gather3A_367 = tpu.vector_load_idx %arg16[%scan3A_240] : memref<10000xf32, #tpu.memory_space<vmem>>[vector<16xi32>], vector<16xf32>,
            %max3A_368 = arith.maximumf %gather3A_367, %mul3A_284 : vector<16xf32>
            tpu.vector_store_idx %arg16[%scan3A_240], %max3A_368 masked %while3A_366 : memref<10000xf32, #tpu.memory_space<vmem>>[vector<16xi32>], vector<16xf32>, vector<16xi1>
            %gather3A_369 = tpu.vector_load_idx %arg16[%scan3A_240] : memref<10000xf32, #tpu.memory_space<vmem>>[vector<16xi32>], vector<16xf32>,
            %lt3A_370 = arith.cmpf olt, %gather3A_369, %mul3A_284 : vector<16xf32>
            %and3A_371 = arith.andi %while3A_366, %lt3A_370 : vector<16xi1>
            scf.yield %and3A_371 : vector<16xi1>
          }
        } else {
        }
        scf.yield %get3A_304, %get3A_316, %get3A_306, %get3A_318, %gather3A_321, %gather3A_322, %gather3A_323, %gather3A_324, %gt3A_332 : vector<16xi32>, vector<16xi32>, vector<16xf32>, vector<16xf32>, vector<16xi32>, vector<16xi32>, vector<16xi32>, vector<16xi32>, i1
      }
      %scan3A_236 = arith.constant 25 : i32
      %scan3A_237 = arith.constant 0 : i32
      scf.yield %scan3A_237 : i32
    }
    %scan3A_77 = arith.constant 200 : i32
    %scan3A_78 = arith.constant 0 : i32
    %scan3A_79 = arith.constant 0 : i32
    %scan3A_80 = arith.constant 625 : i32
    %scan3A_81 = arith.addi %scan3A_79, %scan3A_80 : i32
    %scan3A_82 = arith.constant 1 : i32
    %scan3A_83 = scf.for %scan3A_93 = %scan3A_79 to %scan3A_81 step %scan3A_82 iter_args(%scan3A_94 = %scan3A_78) -> (i32)  : i32 {
      %mul3A_95 = arith.constant 16 : i32
      %mul3A_96 = arith.muli %scan3A_93, %mul3A_95 : i32
      %get3A = arith.index_cast %mul3A_96 : i32 to index
      %get3A_97 = tpu.vector_load %arg9[%get3A] {strides = array<i32>} : memref<10000xf32, #tpu.memory_space<vmem>>, vector<16xf32>,
      %get3A_98 = arith.index_cast %mul3A_96 : i32 to index
      %get3A_99 = tpu.vector_load %arg13[%get3A_98] {strides = array<i32>} : memref<10000xf32, #tpu.memory_space<vmem>>, vector<16xf32>,
      %max3A = arith.maximumf %get3A_97, %get3A_99 : vector<16xf32>
      %swap3A_100 = arith.index_cast %mul3A_96 : i32 to index
      %swap3A_101 = tpu.vector_load %arg9[%swap3A_100] {strides = array<i32>} : memref<10000xf32, #tpu.memory_space<vmem>>, vector<16xf32>,
      tpu.vector_store %arg9[%swap3A_100], %max3A {strides = array<i32>} : memref<10000xf32, #tpu.memory_space<vmem>>, vector<16xf32>,
      %mul3A_102 = arith.constant 16 : i32
      %mul3A_103 = arith.muli %scan3A_93, %mul3A_102 : i32
      %get3A_104 = arith.index_cast %mul3A_103 : i32 to index
      %get3A_105 = tpu.vector_load %arg10[%get3A_104] {strides = array<i32>} : memref<10000xf32, #tpu.memory_space<vmem>>, vector<16xf32>,
      %get3A_106 = arith.index_cast %mul3A_103 : i32 to index
      %get3A_107 = tpu.vector_load %arg14[%get3A_106] {strides = array<i32>} : memref<10000xf32, #tpu.memory_space<vmem>>, vector<16xf32>,
      %max3A_108 = arith.maximumf %get3A_105, %get3A_107 : vector<16xf32>
      %swap3A_109 = arith.index_cast %mul3A_103 : i32 to index
      %swap3A_110 = tpu.vector_load %arg10[%swap3A_109] {strides = array<i32>} : memref<10000xf32, #tpu.memory_space<vmem>>, vector<16xf32>,
      tpu.vector_store %arg10[%swap3A_109], %max3A_108 {strides = array<i32>} : memref<10000xf32, #tpu.memory_space<vmem>>, vector<16xf32>,
      %mul3A_111 = arith.constant 16 : i32
      %mul3A_112 = arith.muli %scan3A_93, %mul3A_111 : i32
      %get3A_113 = arith.index_cast %mul3A_112 : i32 to index
      %get3A_114 = tpu.vector_load %arg11[%get3A_113] {strides = array<i32>} : memref<10000xf32, #tpu.memory_space<vmem>>, vector<16xf32>,
      %get3A_115 = arith.index_cast %mul3A_112 : i32 to index
      %get3A_116 = tpu.vector_load %arg15[%get3A_115] {strides = array<i32>} : memref<10000xf32, #tpu.memory_space<vmem>>, vector<16xf32>,
      %max3A_117 = arith.maximumf %get3A_114, %get3A_116 : vector<16xf32>
      %swap3A_118 = arith.index_cast %mul3A_112 : i32 to index
      %swap3A_119 = tpu.vector_load %arg11[%swap3A_118] {strides = array<i32>} : memref<10000xf32, #tpu.memory_space<vmem>>, vector<16xf32>,
      tpu.vector_store %arg11[%swap3A_118], %max3A_117 {strides = array<i32>} : memref<10000xf32, #tpu.memory_space<vmem>>, vector<16xf32>,
      %mul3A_120 = arith.constant 16 : i32
      %mul3A_121 = arith.muli %scan3A_93, %mul3A_120 : i32
      %get3A_122 = arith.index_cast %mul3A_121 : i32 to index
      %get3A_123 = tpu.vector_load %arg12[%get3A_122] {strides = array<i32>} : memref<10000xf32, #tpu.memory_space<vmem>>, vector<16xf32>,
      %get3A_124 = arith.index_cast %mul3A_121 : i32 to index
      %get3A_125 = tpu.vector_load %arg16[%get3A_124] {strides = array<i32>} : memref<10000xf32, #tpu.memory_space<vmem>>, vector<16xf32>,
      %max3A_126 = arith.maximumf %get3A_123, %get3A_125 : vector<16xf32>
      %swap3A_127 = arith.index_cast %mul3A_121 : i32 to index
      %swap3A_128 = tpu.vector_load %arg12[%swap3A_127] {strides = array<i32>} : memref<10000xf32, #tpu.memory_space<vmem>>, vector<16xf32>,
      tpu.vector_store %arg12[%swap3A_127], %max3A_126 {strides = array<i32>} : memref<10000xf32, #tpu.memory_space<vmem>>, vector<16xf32>,
      %scan3A_129 = arith.constant 0 : i32
      scf.yield %scan3A_129 : i32
    }
    %scan3A_84 = arith.constant 625 : i32
    %add3A_85 = arith.constant 1 : i32
    %add3A_86 = arith.addi %mul3A_2, %add3A_85 : i32
    %add3A_87 = arith.constant 64 : i32
    %add3A_88 = arith.addi %add3A_87, %mul3A_2 : i32
    %add3A_89 = arith.constant 64 : i32
    %add3A_90 = arith.addi %add3A_89, %mul3A_2 : i32
    %add3A_91 = arith.constant 1 : i32
    %add3A_92 = arith.addi %add3A_90, %add3A_91 : i32
    "tpu.region"() ({
      %run_scoped3A = tpu.sem_alloc : memref<!tpu.dma_semaphore, #tpu.memory_space<semaphore_mem>>
      %dma_start3A_93 = arith.constant 0 : i32
      %dma_start3A_94 = tpu.memref_slice %arg6[%mul3A_2, %dma_start3A_93] : memref<128x10000xf32, #tpu.memory_space<hbm>> -> memref<1x10000xf32, #tpu.memory_space<hbm>>
      %dma_start3A_95 = tpu.memref_squeeze %dma_start3A_94 : memref<1x10000xf32, #tpu.memory_space<hbm>> -> memref<10000xf32, #tpu.memory_space<hbm>>
      %dma_start3A_96 = arith.constant 0 : i32
      %dma_start3A_97 = tpu.memref_slice %arg6[%mul3A_2, %dma_start3A_96] : memref<128x10000xf32, #tpu.memory_space<hbm>> -> memref<1x10000xf32, #tpu.memory_space<hbm>>
      %dma_start3A_98 = tpu.memref_squeeze %dma_start3A_97 : memref<1x10000xf32, #tpu.memory_space<hbm>> -> memref<10000xf32, #tpu.memory_space<hbm>>
      tpu.enqueue_dma source(%arg9 : memref<10000xf32, #tpu.memory_space<vmem>>) target(%dma_start3A_98 : memref<10000xf32, #tpu.memory_space<hbm>>) target_semaphore(%run_scoped3A : memref<!tpu.dma_semaphore, #tpu.memory_space<semaphore_mem>>)
      %dma_wait3A = arith.constant 0 : i32
      %dma_wait3A_99 = tpu.memref_slice %arg6[%mul3A_2, %dma_wait3A] : memref<128x10000xf32, #tpu.memory_space<hbm>> -> memref<1x10000xf32, #tpu.memory_space<hbm>>
      %dma_wait3A_100 = tpu.memref_squeeze %dma_wait3A_99 : memref<1x10000xf32, #tpu.memory_space<hbm>> -> memref<10000xf32, #tpu.memory_space<hbm>>
      %dma_wait3A_101 = arith.constant 0 : i32
      %dma_wait3A_102 = tpu.memref_slice %arg6[%mul3A_2, %dma_wait3A_101] : memref<128x10000xf32, #tpu.memory_space<hbm>> -> memref<1x10000xf32, #tpu.memory_space<hbm>>
      %dma_wait3A_103 = tpu.memref_squeeze %dma_wait3A_102 : memref<1x10000xf32, #tpu.memory_space<hbm>> -> memref<10000xf32, #tpu.memory_space<hbm>>
      tpu.wait_dma2 semaphore(%run_scoped3A : memref<!tpu.dma_semaphore, #tpu.memory_space<semaphore_mem>>) src(%arg9 : memref<10000xf32, #tpu.memory_space<vmem>>) dst(%dma_wait3A_103 : memref<10000xf32, #tpu.memory_space<hbm>>)
      tpu.yield
    }) : () -> ()
    "tpu.region"() ({
      %run_scoped3A = tpu.sem_alloc : memref<!tpu.dma_semaphore, #tpu.memory_space<semaphore_mem>>
      %dma_start3A_93 = arith.constant 0 : i32
      %dma_start3A_94 = tpu.memref_slice %arg6[%add3A_86, %dma_start3A_93] : memref<128x10000xf32, #tpu.memory_space<hbm>> -> memref<1x10000xf32, #tpu.memory_space<hbm>>
      %dma_start3A_95 = tpu.memref_squeeze %dma_start3A_94 : memref<1x10000xf32, #tpu.memory_space<hbm>> -> memref<10000xf32, #tpu.memory_space<hbm>>
      %dma_start3A_96 = arith.constant 0 : i32
      %dma_start3A_97 = tpu.memref_slice %arg6[%add3A_86, %dma_start3A_96] : memref<128x10000xf32, #tpu.memory_space<hbm>> -> memref<1x10000xf32, #tpu.memory_space<hbm>>
      %dma_start3A_98 = tpu.memref_squeeze %dma_start3A_97 : memref<1x10000xf32, #tpu.memory_space<hbm>> -> memref<10000xf32, #tpu.memory_space<hbm>>
      tpu.enqueue_dma source(%arg10 : memref<10000xf32, #tpu.memory_space<vmem>>) target(%dma_start3A_98 : memref<10000xf32, #tpu.memory_space<hbm>>) target_semaphore(%run_scoped3A : memref<!tpu.dma_semaphore, #tpu.memory_space<semaphore_mem>>)
      %dma_wait3A = arith.constant 0 : i32
      %dma_wait3A_99 = tpu.memref_slice %arg6[%add3A_86, %dma_wait3A] : memref<128x10000xf32, #tpu.memory_space<hbm>> -> memref<1x10000xf32, #tpu.memory_space<hbm>>
      %dma_wait3A_100 = tpu.memref_squeeze %dma_wait3A_99 : memref<1x10000xf32, #tpu.memory_space<hbm>> -> memref<10000xf32, #tpu.memory_space<hbm>>
      %dma_wait3A_101 = arith.constant 0 : i32
      %dma_wait3A_102 = tpu.memref_slice %arg6[%add3A_86, %dma_wait3A_101] : memref<128x10000xf32, #tpu.memory_space<hbm>> -> memref<1x10000xf32, #tpu.memory_space<hbm>>
      %dma_wait3A_103 = tpu.memref_squeeze %dma_wait3A_102 : memref<1x10000xf32, #tpu.memory_space<hbm>> -> memref<10000xf32, #tpu.memory_space<hbm>>
      tpu.wait_dma2 semaphore(%run_scoped3A : memref<!tpu.dma_semaphore, #tpu.memory_space<semaphore_mem>>) src(%arg10 : memref<10000xf32, #tpu.memory_space<vmem>>) dst(%dma_wait3A_103 : memref<10000xf32, #tpu.memory_space<hbm>>)
      tpu.yield
    }) : () -> ()
    "tpu.region"() ({
      %run_scoped3A = tpu.sem_alloc : memref<!tpu.dma_semaphore, #tpu.memory_space<semaphore_mem>>
      %dma_start3A_93 = arith.constant 0 : i32
      %dma_start3A_94 = tpu.memref_slice %arg6[%add3A_88, %dma_start3A_93] : memref<128x10000xf32, #tpu.memory_space<hbm>> -> memref<1x10000xf32, #tpu.memory_space<hbm>>
      %dma_start3A_95 = tpu.memref_squeeze %dma_start3A_94 : memref<1x10000xf32, #tpu.memory_space<hbm>> -> memref<10000xf32, #tpu.memory_space<hbm>>
      %dma_start3A_96 = arith.constant 0 : i32
      %dma_start3A_97 = tpu.memref_slice %arg6[%add3A_88, %dma_start3A_96] : memref<128x10000xf32, #tpu.memory_space<hbm>> -> memref<1x10000xf32, #tpu.memory_space<hbm>>
      %dma_start3A_98 = tpu.memref_squeeze %dma_start3A_97 : memref<1x10000xf32, #tpu.memory_space<hbm>> -> memref<10000xf32, #tpu.memory_space<hbm>>
      tpu.enqueue_dma source(%arg11 : memref<10000xf32, #tpu.memory_space<vmem>>) target(%dma_start3A_98 : memref<10000xf32, #tpu.memory_space<hbm>>) target_semaphore(%run_scoped3A : memref<!tpu.dma_semaphore, #tpu.memory_space<semaphore_mem>>)
      %dma_wait3A = arith.constant 0 : i32
      %dma_wait3A_99 = tpu.memref_slice %arg6[%add3A_88, %dma_wait3A] : memref<128x10000xf32, #tpu.memory_space<hbm>> -> memref<1x10000xf32, #tpu.memory_space<hbm>>
      %dma_wait3A_100 = tpu.memref_squeeze %dma_wait3A_99 : memref<1x10000xf32, #tpu.memory_space<hbm>> -> memref<10000xf32, #tpu.memory_space<hbm>>
      %dma_wait3A_101 = arith.constant 0 : i32
      %dma_wait3A_102 = tpu.memref_slice %arg6[%add3A_88, %dma_wait3A_101] : memref<128x10000xf32, #tpu.memory_space<hbm>> -> memref<1x10000xf32, #tpu.memory_space<hbm>>
      %dma_wait3A_103 = tpu.memref_squeeze %dma_wait3A_102 : memref<1x10000xf32, #tpu.memory_space<hbm>> -> memref<10000xf32, #tpu.memory_space<hbm>>
      tpu.wait_dma2 semaphore(%run_scoped3A : memref<!tpu.dma_semaphore, #tpu.memory_space<semaphore_mem>>) src(%arg11 : memref<10000xf32, #tpu.memory_space<vmem>>) dst(%dma_wait3A_103 : memref<10000xf32, #tpu.memory_space<hbm>>)
      tpu.yield
    }) : () -> ()
    "tpu.region"() ({
      %run_scoped3A = tpu.sem_alloc : memref<!tpu.dma_semaphore, #tpu.memory_space<semaphore_mem>>
      %dma_start3A_93 = arith.constant 0 : i32
      %dma_start3A_94 = tpu.memref_slice %arg6[%add3A_92, %dma_start3A_93] : memref<128x10000xf32, #tpu.memory_space<hbm>> -> memref<1x10000xf32, #tpu.memory_space<hbm>>
      %dma_start3A_95 = tpu.memref_squeeze %dma_start3A_94 : memref<1x10000xf32, #tpu.memory_space<hbm>> -> memref<10000xf32, #tpu.memory_space<hbm>>
      %dma_start3A_96 = arith.constant 0 : i32
      %dma_start3A_97 = tpu.memref_slice %arg6[%add3A_92, %dma_start3A_96] : memref<128x10000xf32, #tpu.memory_space<hbm>> -> memref<1x10000xf32, #tpu.memory_space<hbm>>
      %dma_start3A_98 = tpu.memref_squeeze %dma_start3A_97 : memref<1x10000xf32, #tpu.memory_space<hbm>> -> memref<10000xf32, #tpu.memory_space<hbm>>
      tpu.enqueue_dma source(%arg12 : memref<10000xf32, #tpu.memory_space<vmem>>) target(%dma_start3A_98 : memref<10000xf32, #tpu.memory_space<hbm>>) target_semaphore(%run_scoped3A : memref<!tpu.dma_semaphore, #tpu.memory_space<semaphore_mem>>)
      %dma_wait3A = arith.constant 0 : i32
      %dma_wait3A_99 = tpu.memref_slice %arg6[%add3A_92, %dma_wait3A] : memref<128x10000xf32, #tpu.memory_space<hbm>> -> memref<1x10000xf32, #tpu.memory_space<hbm>>
      %dma_wait3A_100 = tpu.memref_squeeze %dma_wait3A_99 : memref<1x10000xf32, #tpu.memory_space<hbm>> -> memref<10000xf32, #tpu.memory_space<hbm>>
      %dma_wait3A_101 = arith.constant 0 : i32
      %dma_wait3A_102 = tpu.memref_slice %arg6[%add3A_92, %dma_wait3A_101] : memref<128x10000xf32, #tpu.memory_space<hbm>> -> memref<1x10000xf32, #tpu.memory_space<hbm>>
      %dma_wait3A_103 = tpu.memref_squeeze %dma_wait3A_102 : memref<1x10000xf32, #tpu.memory_space<hbm>> -> memref<10000xf32, #tpu.memory_space<hbm>>
      tpu.wait_dma2 semaphore(%run_scoped3A : memref<!tpu.dma_semaphore, #tpu.memory_space<semaphore_mem>>) src(%arg12 : memref<10000xf32, #tpu.memory_space<vmem>>) dst(%dma_wait3A_103 : memref<10000xf32, #tpu.memory_space<hbm>>)
      tpu.yield
    }) : () -> ()
    return
  }
}

module attributes {stable_mosaic.version = 14 : i64} {
  func.func @_pre_body(%arg0: memref<10000x128xf32, #tpu.memory_space<vmem>>, %arg1: memref<128x128xf32, #tpu.memory_space<vmem>>, %arg2: memref<128x128xf32, #tpu.memory_space<vmem>>, %arg3: memref<1x128xf32, #tpu.memory_space<vmem>>, %arg4: memref<64x10000xi32, #tpu.memory_space<vmem>>, %arg5: memref<10000x128xf32, #tpu.memory_space<vmem>>) attributes {dimension_semantics = [], scalar_prefetch = 0 : i64, scratch_operands = 0 : i64, tpu.core_type = #tpu.core_type<tc>} {
    %get3A = arith.constant 0 : index
    %get3A_0 = arith.constant 0 : index
    %get3A_1 = vector.load %arg0[%get3A, %get3A_0] : memref<10000x128xf32, #tpu.memory_space<vmem>>, vector<10000x128xf32>
    %get3A_2 = arith.constant 0 : index
    %get3A_3 = arith.constant 0 : index
    %get3A_4 = vector.load %arg1[%get3A_2, %get3A_3] : memref<128x128xf32, #tpu.memory_space<vmem>>, vector<128x128xf32>
    %dot_general3A = arith.constant dense<0.000000e+00> : vector<128x10000xf32>
    %dot_general3A_5 = tpu.matmul %get3A_4, %get3A_1, %dot_general3A {dimension_numbers = #tpu.dot_dimension_numbers<[0], [1], [1], [0], [0, 1, 1, 0], [], []>, transpose_lhs_hint = false} : vector<128x128xf32>, vector<10000x128xf32>, vector<128x10000xf32> -> vector<128x10000xf32>
    %slice3A = vector.extract_strided_slice %dot_general3A_5 {offsets = [0, 0], sizes = [64, 10000], strides = [1, 1]} : vector<128x10000xf32> to vector<64x10000xf32>
    %convert_element_type3A = arith.truncf %slice3A : vector<64x10000xf32> to vector<64x10000xbf16>
    %bitcast_convert_type3A = tpu.bitcast %convert_element_type3A : vector<64x10000xbf16> -> vector<64x10000xi16>
    %convert_element_type3A_6 = arith.extui %bitcast_convert_type3A : vector<64x10000xi16> to vector<64x10000xi32>
    %slice3A_7 = vector.extract_strided_slice %dot_general3A_5 {offsets = [64, 0], sizes = [64, 10000], strides = [1, 1]} : vector<128x10000xf32> to vector<64x10000xf32>
    %convert_element_type3A_8 = arith.truncf %slice3A_7 : vector<64x10000xf32> to vector<64x10000xbf16>
    %bitcast_convert_type3A_9 = tpu.bitcast %convert_element_type3A_8 : vector<64x10000xbf16> -> vector<64x10000xi16>
    %convert_element_type3A_10 = arith.extui %bitcast_convert_type3A_9 : vector<64x10000xi16> to vector<64x10000xi32>
    %shift_left3A = arith.constant 16 : i32
    %shift_left3A_11 = vector.broadcast %shift_left3A : i32 to vector<64x10000xi32>
    %shift_left3A_12 = arith.shli %convert_element_type3A_10, %shift_left3A_11 : vector<64x10000xi32>
    %or3A = arith.ori %shift_left3A_12, %convert_element_type3A_6 : vector<64x10000xi32>
    %bitcast_convert_type3A_13 = tpu.bitcast %or3A : vector<64x10000xi32> -> vector<64x10000xi32>
    %swap3A = arith.constant 0 : index
    %swap3A_14 = arith.constant 0 : index
    %swap3A_15 = vector.load %arg4[%swap3A, %swap3A_14] : memref<64x10000xi32, #tpu.memory_space<vmem>>, vector<64x10000xi32>
    tpu.vector_store %arg4[%swap3A, %swap3A_14], %bitcast_convert_type3A_13 {strides = array<i32>} : memref<64x10000xi32, #tpu.memory_space<vmem>>, vector<64x10000xi32>,
    %get3A_16 = arith.constant 0 : index
    %get3A_17 = arith.constant 0 : index
    %get3A_18 = vector.load %arg2[%get3A_16, %get3A_17] : memref<128x128xf32, #tpu.memory_space<vmem>>, vector<128x128xf32>
    %dot_general3A_19 = arith.constant dense<0.000000e+00> : vector<10000x128xf32>
    %dot_general3A_20 = tpu.matmul %get3A_1, %get3A_18, %dot_general3A_19 {dimension_numbers = #tpu.dot_dimension_numbers<[1], [0], [0], [1], [0, 0, 1, 1], [], []>, transpose_lhs_hint = false} : vector<10000x128xf32>, vector<128x128xf32>, vector<10000x128xf32> -> vector<10000x128xf32>
    %get3A_21 = arith.constant 0 : index
    %get3A_22 = arith.constant 0 : index
    %get3A_23 = vector.load %arg3[%get3A_21, %get3A_22] : memref<1x128xf32, #tpu.memory_space<vmem>>, vector<1x128xf32>
    %add3A = vector.broadcast %get3A_23 : vector<1x128xf32> to vector<10000x128xf32>
    %add3A_24 = arith.addf %dot_general3A_20, %add3A : vector<10000x128xf32>
    %swap3A_25 = arith.constant 0 : index
    %swap3A_26 = arith.constant 0 : index
    %swap3A_27 = vector.load %arg5[%swap3A_25, %swap3A_26] : memref<10000x128xf32, #tpu.memory_space<vmem>>, vector<10000x128xf32>
    tpu.vector_store %arg5[%swap3A_25, %swap3A_26], %add3A_24 {strides = array<i32>} : memref<10000x128xf32, #tpu.memory_space<vmem>>, vector<10000x128xf32>,
    return
  }
}

module attributes {stable_mosaic.version = 14 : i64} {
  func.func @_post_body(%arg0: memref<10000x128xf32, #tpu.memory_space<vmem>>, %arg1: memref<128x10000xf32, #tpu.memory_space<vmem>>, %arg2: memref<128x128xf32, #tpu.memory_space<vmem>>, %arg3: memref<128x1xf32, #tpu.memory_space<vmem>>, %arg4: memref<10000x128xf32, #tpu.memory_space<vmem>>) attributes {dimension_semantics = [], scalar_prefetch = 0 : i64, scratch_operands = 0 : i64, tpu.core_type = #tpu.core_type<tc>} {
    %get3A = arith.constant 0 : index
    %get3A_0 = arith.constant 0 : index
    %get3A_1 = vector.load %arg1[%get3A, %get3A_0] : memref<128x10000xf32, #tpu.memory_space<vmem>>, vector<128x10000xf32>
    %get3A_2 = arith.constant 0 : index
    %get3A_3 = arith.constant 0 : index
    %get3A_4 = vector.load %arg3[%get3A_2, %get3A_3] : memref<128x1xf32, #tpu.memory_space<vmem>>, vector<128x1xf32>
    %add3A = vector.broadcast %get3A_4 : vector<128x1xf32> to vector<128x10000xf32>
    %add3A_5 = arith.addf %get3A_1, %add3A : vector<128x10000xf32>
    %max3A = arith.constant 0.000000e+00 : f32
    %max3A_6 = vector.broadcast %max3A : f32 to vector<128x10000xf32>
    %max3A_7 = arith.maximumf %add3A_5, %max3A_6 : vector<128x10000xf32>
    %eq3A = arith.constant 0xFF800000 : f32
    %eq3A_8 = vector.broadcast %eq3A : f32 to vector<128x10000xf32>
    %eq3A_9 = arith.cmpf oeq, %get3A_1, %eq3A_8 : vector<128x10000xf32>
    %jit3A = arith.constant 0.000000e+00 : f32
    %broadcast_in_dim3A = vector.broadcast %jit3A : f32 to vector<128x10000xf32>
    %select_n3A = arith.select %eq3A_9, %broadcast_in_dim3A, %max3A_7 : vector<128x10000xi1>, vector<128x10000xf32>
    %get3A_10 = arith.constant 0 : index
    %get3A_11 = arith.constant 0 : index
    %get3A_12 = vector.load %arg2[%get3A_10, %get3A_11] : memref<128x128xf32, #tpu.memory_space<vmem>>, vector<128x128xf32>
    %dot_general3A = arith.constant dense<0.000000e+00> : vector<10000x128xf32>
    %dot_general3A_13 = tpu.matmul %select_n3A, %get3A_12, %dot_general3A {dimension_numbers = #tpu.dot_dimension_numbers<[0], [0], [1], [1], [0, 1, 1, 1], [], []>, transpose_lhs_hint = false} : vector<128x10000xf32>, vector<128x128xf32>, vector<10000x128xf32> -> vector<10000x128xf32>
    %get3A_14 = arith.constant 0 : index
    %get3A_15 = arith.constant 0 : index
    %get3A_16 = vector.load %arg0[%get3A_14, %get3A_15] : memref<10000x128xf32, #tpu.memory_space<vmem>>, vector<10000x128xf32>
    %add3A_17 = arith.addf %get3A_16, %dot_general3A_13 : vector<10000x128xf32>
    %max3A_18 = arith.constant 0.000000e+00 : f32
    %max3A_19 = vector.broadcast %max3A_18 : f32 to vector<10000x128xf32>
    %max3A_20 = arith.maximumf %add3A_17, %max3A_19 : vector<10000x128xf32>
    %swap3A = arith.constant 0 : index
    %swap3A_21 = arith.constant 0 : index
    %swap3A_22 = vector.load %arg4[%swap3A, %swap3A_21] : memref<10000x128xf32, #tpu.memory_space<vmem>>, vector<10000x128xf32>
    tpu.vector_store %arg4[%swap3A, %swap3A_21], %max3A_20 {strides = array<i32>} : memref<10000x128xf32, #tpu.memory_space<vmem>>, vector<10000x128xf32>,
    return
  }
}

</mosaic_0001>

<sc_bundles>
// kernel: kernel.5.cloned.1.call-start
scs
__scs_entry_jumppad:
0x0: {  	(pc) =	sbr.rel $0x88, $3  }
0x1: {  	(tag) =	ssettag $0x0;
	lr =	simm.s32 $0x1  }
0x2: {  	[smem:$0x3F9A] =	sst lr;
	_ =	strace $0xD0000000  }
0x3: {  	_ = 	snop  }
0x4: {  	_ = 	snop  }
0x5: {  	_ = 	snop  }
0x6: {  	_ = 	snop  }
0x7: {  	_ = 	snop  }
__scs_overlays_trampoline_lowered:
0x8: {  	[smem:$0x3FA9] =	sst s0  }
0x9: {  	[smem:$0x3FAA] =	sst s1  }
0xa: {  	[smem:$0x3FAB] =	sst s2  }
0xb: {  	[smem:$0x3FAC] =	sst s3  }
0xc: {  	[smem:$0x3FAD] =	sst s4  }
0xd: {  	[smem:$0x3FAE] =	sst s5  }
0xe: {  	[smem:$0x3FAF] =	sst s6  }
0xf: {  	[smem:$0x3FB0] =	sst s7  }
0x10: {  	[smem:$0x3FB1] =	sst s8  }
0x11: {  	[smem:$0x3FB2] =	sst s9;
	s0 =	simm.s32 @!p0 $0x0  }
0x12: {  	s1 =	sld [smem:$0x3F98];
	s0 =	simm.s32 @p0 $0x1  }
0x13: {  	[smem:$0x3FB3] =	sst s0;
	s0 =	simm.s32 @!p1 $0x0  }
0x14: {  	s2 =	sld [smem:$0x3F97];
	s0 =	simm.s32 @p1 $0x1  }
0x15: {  	[smem:$0x3FB4] =	sst s0;
	s0 =	simm.s32 @!p2 $0x0  }
0x16: {  	s3 =	sld [smem:$0x3FDB];
	s0 =	simm.s32 @p2 $0x1  }
0x17: {  	s4 =	simm.s32 $0x1BF5;
	[smem:$0x3FB6] =	sst s0  }
0x18: {  	s0 =	sld [smem:$0x3F99];
	_ =	swait.ge [sflag:s4], $0x0  }
0x19: {  	s7 =	sld [smem:$0x3F9A]  }
0x1a: {  	s8 =	sadd.s32 $0xFFFFE003, lr  }
0x1b: {  	s9 =	sadd.s32 $0xFFFFFEF7, lr;
	s5 =	simm.s32 $0xFFFFFFFF;
	p2 =	slt.u32 s8, $0xFFFFF086  }
0x1c: {  	p1 =	slt.u32 s9, $0xF7A;
	s5 =	simm.s32 @!p2 $0x0  }
0x1d: {  	s5 =	simm.s32 @p1 $0x1;
	p0 =	seq.s32 s7, s2  }
0x1e: {  	s7 =	smul.u32 @!p0 $0xF7A, s2;
	p2 =	seq.s32 @!p0 s5, $0x0  }
0x1f: {  	s9 =	smul.u32 $0xF7A, s1;
	s8 =	simm.s32 @!p0 $0x1BF5;
	p2 =	por !p2, p0  }
0x20: {  	[sflag:s8] =	ssyncset.s32 @!p0 $0xFFFFF086;
	s6 =	sadd.s32 @!p0 s3, s7;
	s7 =	simm.s32 @!p0 $0x108  }
0x21: {  	s3 =	sadd.s32 s3, s9;
	s6 =	sadd.s32 @!p0 $0x88, s6;
	s7 =	simm.s32 @p2 $0x1082  }
0x22: {  	[simem:s7], [sflag:s8] =	dma.local @!p0 [hbm:s6], $0xF7A  }
0x23: {  	s9 =	sor.u32 $0xD0000000, s2;
	s6 =	simm.s32 $0x108;
	_ =	swait.ge @!p0 [sflag:s8], $0x0  }
0x24: {  	s3 =	sadd.s32 $0x88, s3;
	s6 =	simm.s32 @!p1 $0x1082;
	[sflag:s4] =	ssyncset.s32 $0xFFFFF086  }
0x25: {  	[simem:s6], [sflag:s4] =	dma.local [hbm:s3], $0xF7A  }
0x26: {  	[smem:$0x3F9A] =	sst s1;
	(tag) =	ssettag s2;
	_ =	strace s9  }
0x27: {  	s1 =	sld [smem:$0x3FAA]  }
0x28: {  	s2 =	sld [smem:$0x3FAB]  }
0x29: {  	s4 =	sld [smem:$0x3FAD]  }
0x2a: {  	p0 =	seq.s32 s5, $0x0;
	s5 =	sld [smem:$0x3FAE]  }
0x2b: {  	s6 =	sld [smem:$0x3FAF]  }
0x2c: {  	s7 =	sld [smem:$0x3FB0]  }
0x2d: {  	s3 =	simm.s32 $0x108;
	s8 =	sld [smem:$0x3FB1]  }
0x2e: {  	s3 =	simm.s32 @!p0 $0x1082;
	s9 =	sld [smem:$0x3FB2]  }
0x2f: {  	lr =	sadd.s32 s0, s3;
	s0 =	sld [smem:$0x3FA9]  }
0x30: {  	s3 =	sld [smem:$0x3FAC]  }
0x31: {  	[smem:$0x3FB5] =	sst s10  }
0x32: {  	s10 =	sld [smem:$0x3FB3];
	_ =	sdelay $0x3  }
0x33: {  	p0 =	seq.s32 s10, $0x1;
	s10 =	sld [smem:$0x3FB5];
	_ =	sdelay $0x3  }
0x34: {  	[smem:$0x3FB5] =	sst s10  }
0x35: {  	s10 =	sld [smem:$0x3FB4];
	_ =	sdelay $0x3  }
0x36: {  	p1 =	seq.s32 s10, $0x1;
	s10 =	sld [smem:$0x3FB5];
	_ =	sdelay $0x3  }
0x37: {  	[smem:$0x3FB5] =	sst s10  }
0x38: {  	s10 =	sld [smem:$0x3FB6]  }
0x39: {  	_ = 	snop;
	(pc) =	sbr.ind lr, $3  }
0x3a: {  	_ = 	snop  }
0x3b: {  	_ = 	snop  }
0x3c: {  	p2 =	seq.s32 s10, $0x1;
	s10 =	sld [smem:$0x3FB5]  }
0x3d: {  	_ =	shalt  }
0x3e: {  	_ =	shalt  }
0x3f: {  	_ =	shalt  }
0x40: {  	_ =	shalt  }
0x41: {  	_ =	shalt  }
0x42: {  	_ =	shalt  }
0x43: {  	_ =	shalt  }
0x44: {  	_ =	shalt  }
0x45: {  	_ =	shalt  }
0x46: {  	_ =	shalt  }
0x47: {  	_ =	shalt  }
0x48: {  	_ =	shalt  }
0x49: {  	_ =	shalt  }
0x4a: {  	_ =	shalt  }
0x4b: {  	_ =	shalt  }
0x4c: {  	_ =	shalt  }
0x4d: {  	_ =	shalt  }
0x4e: {  	_ =	shalt  }
0x4f: {  	_ =	shalt  }
0x50: {  	_ =	shalt  }
0x51: {  	_ =	shalt  }
0x52: {  	_ =	shalt  }
0x53: {  	_ =	shalt  }
0x54: {  	_ =	shalt  }
0x55: {  	_ =	shalt  }
0x56: {  	_ =	shalt  }
0x57: {  	_ =	shalt  }
0x58: {  	_ =	shalt  }
0x59: {  	_ =	shalt  }
0x5a: {  	_ =	shalt  }
0x5b: {  	_ =	shalt  }
0x5c: {  	_ =	shalt  }
0x5d: {  	_ =	shalt  }
0x5e: {  	_ =	shalt  }
0x5f: {  	_ =	shalt  }
0x60: {  	_ =	shalt  }
0x61: {  	_ =	shalt  }
0x62: {  	_ =	shalt  }
0x63: {  	_ =	shalt  }
0x64: {  	_ =	shalt  }
0x65: {  	_ =	shalt  }
0x66: {  	_ =	shalt  }
0x67: {  	_ =	shalt  }
0x68: {  	_ =	shalt  }
0x69: {  	_ =	shalt  }
0x6a: {  	_ =	shalt  }
0x6b: {  	_ =	shalt  }
0x6c: {  	_ =	shalt  }
0x6d: {  	_ =	shalt  }
0x6e: {  	_ =	shalt  }
0x6f: {  	_ =	shalt  }
0x70: {  	_ =	shalt  }
0x71: {  	_ =	shalt  }
0x72: {  	_ =	shalt  }
0x73: {  	_ =	shalt  }
0x74: {  	_ =	shalt  }
0x75: {  	_ =	shalt  }
0x76: {  	_ =	shalt  }
0x77: {  	_ =	shalt  }
0x78: {  	_ =	shalt  }
0x79: {  	_ =	shalt  }
0x7a: {  	_ =	shalt  }
0x7b: {  	_ =	shalt  }
0x7c: {  	_ =	shalt  }
0x7d: {  	_ =	shalt  }
0x7e: {  	_ =	shalt  }
0x7f: {  	_ =	shalt  }
0x80: {  	_ =	shalt  }
0x81: {  	_ =	shalt  }
0x82: {  	_ =	shalt  }
0x83: {  	_ =	shalt  }
0x84: {  	_ =	shalt  }
0x85: {  	_ =	shalt  }
0x86: {  	_ =	shalt  }
0x87: {  	_ =	shalt  }
.Lfunc_end0:
.L_simem_size_0:
called_computation_lowered:
.L_overlay_start_0:
0x88: {  	s2 =	sld [smem:$0x3FD9]  }
0x89: {  	s3 =	sld [smem:$0x3FFE];
	_ =	sdelay $0x1  }
0x8a: {  	s1 =	srdreg.scid  }
0x8b: {  	s0 =	sand.u32 $0x1, s1  }
0x8c: {  	s17 =	sshll.u32 s0, $0xA;
	s2 =	sadd.s32 s3, s2  }
0x8d: {  	s2 =	sadd.s32 s2, s17  }
0x8e: {  	[smem:$0x3FC1] =	sst s2  }
0x8f: {  	_ = 	snop  }
0x90: {  	s2 =	sld [smem:$0x3FC7]  }
0x91: {  	s18 =	sld [smem:$0x3FD0];
	(tm) =	ssettm $0x1  }
0x92: {  	s4 =	sld [smem:$0x3FFB];
	_ =	sdelay $0x3  }
0x93: {  	_ =	strace s4  }
0x94: {  	s4 =	sld [smem:$0x3FFC];
	_ =	sdelay $0x3  }
0x95: {  	_ =	strace s4  }
0x96: {  	s4 =	sld [smem:$0x3FFD];
	_ =	sdelay $0x3  }
0x97: {  	_ =	strace s4  }
0x98: {  	_ =	strace $0x8FFFFFFF  }
0x99: {  	s19 =	sld [smem:$0x3FDB];
	_ =	sdelay $0x1  }
0x9a: {  	s5 =	simm.s32 $_scs_section_size  }
0x9b: {  	s6 =	simm.s32 $_size__tile_overlayer_lowered;
	s7 =	simm.s32 $_tile_overlayer_lowered  }
0x9c: {  	s22 =	simm.s32 $0x1BFF;
	s21 =	sshll.u32 s7, $0x1;
	s4 =	sadd.s32 s5, s19  }
0x9d: {  	s8 =	simm.s32 $0x0;
	s20 =	sshll.u32 s6, $0x1;
	s6 =	sadd.s32 s21, s4  }
0x9e: {  	[timem:s8], [sflag:s22] =	dma.local [hbm:s6], s20  }
0x9f: {  	_ =	swait.ge [sflag:s22], s20  }
0xa0: {  	s5 =	ssub.s32 $0x0, s20;
	[sflag:s22] =	ssyncset.done $0x0  }
0xa1: {  	[sflag:s22] =	ssyncadd.s32 s5;
	_ =	sdelay $0x1  }
0xa2: {  	s23 =	simm.s32 $0x1B8B  }
0xa3: {  	_ =	swait.ge [sflag:s23], $0x1  }
0xa4: {  	[sflag:s23] =	ssyncset.done $0x0  }
0xa5: {  	s25 =	simm.s32 $0x1B8E;
	s24 =	sld [smem:$0x3FFE];
	[sflag:s23] =	ssyncadd.s32 $0xFFFFFFFF  }
0xa6: {  	s26 =	simm.s32 $execute0_lowered;
	[smem:$0x3FD2] =	sst s25  }
0xa7: {  	s6 =	sshll.u32 s26, $0x1;
	_ =	strace $0x80000046;
	[dreg:$0x1] =	wrdreg $0xFFFFFFFF  }
0xa8: {  	s28 =	simm.s32 $_size_execute0_lowered;
	s4 =	sadd.s32 s4, s6;
	[dreg:$0x0] =	wrdreg $0x0  }
0xa9: {  	s6 =	sshll.u32 s28, $0x1;
	[dreg:$0x2] =	wrdreg s4  }
0xaa: {  	[dreg:$0x3] =	wrdreg s6  }
0xab: {  	[dreg:$0x4] =	wrdreg $0xC0  }
0xac: {  	_ =	task [dreg:s8], $0x5FFFF  }
0xad: {  	[dreg:$0x1] =	wrdreg $0xFFFFFFFF  }
0xae: {  	[dreg:$0x0] =	wrdreg $0x60  }
0xaf: {  	[dreg:$0x2] =	wrdreg s18  }
0xb0: {  	[dreg:$0x3] =	wrdreg s24  }
0xb1: {  	[dreg:$0x4] =	wrdreg s2  }
0xb2: {  	[dreg:$0x5] =	wrdreg $0x9  }
0xb3: {  	_ =	task.clear_ibuf [dreg:s8], $0x6FFFF;
	_ =	strace $0x90000046  }
0xb4: {  	s29 =	simm.s32 $0x9;
	_ =	strace $0x80000048  }
0xb5: {  	_ =	swait.ge [sflag:s29], $0x1  }
0xb6: {  	[sflag:s29] =	ssyncadd.s32 $0xFFFFFFFF  }
0xb7: {  	_ =	strace $0x90000048  }
0xb8: {  	_ =	sfence  }
0xb9: {  	s30 =	sld [smem:$0x0];
	_ =	sdelay $0x2  }
0xba: {  	s31 =	sshll.u32 s1, $0xD;
	s1 =	sshrl.u32 s1, $0x2  }
0xbb: {  	s3 =	sand.u32 $0x4000, s31;
	s1 =	sadd.s32 s1, s30  }
0xbc: {  	s0 =	sor.u32 s3, s0;
	s1 =	sshll.u32 s1, $0x11  }
0xbd: {  	s0 =	sor.u32 s1, s0  }
0xbe: {  	s0 =	sadd.s32 $0x8F2B, s0  }
0xbf: {  	[sflag:s0] =	ssyncadd.remote.s32 $0x1  }
0xc0: {  	_ =	sfence.sel $0xFFFF  }
0xc1: {  	[dreg:$0x0] =	wrdreg $0xFFFFFFFF;
	(pc) =	sbr.abs _section_cstart, $3  }
0xc2: {  	[dreg:$0x1] =	wrdreg $0xFFFFFFFF  }
0xc3: {  	_ =	task.clear_ibuf [dreg:s8], $0x2FFFF;
	_ =	strace $0x9FFFFFFF  }
0xc4: {  	(tm) =	ssettm $0x7FFFFFFF  }
0xc5: {  	_ =	shalt  }
tec
execute0_lowered:
.L_overlay_start_1:
0x0: {  	(tag) =	ssettag $0x1  }
0x1: {  	s0 =	rddreg [dreg:$0x0]  }
0x2: {  	s3 =	rddreg [dreg:$0x1];
	s2 =	simm.s32 $0x0  }
0x3: {  	[smem:$0x7FF] =	sst s2  }
0x4: {  	s1 =	rddreg [dreg:$0x2];
	v0 =	vimm.f32 $1.000000000e+00;
	_ =	strace $0x80000047  }
0x5: {  	(xrf0) =	vmax.scan.msk.f32 $0xffff, v0;
	_ =	sdelay $0x1  }
0x6: {  	s4 =	srdreg.scid;
	s8 =	stileid.u32;
	s17 =	simm.s32 $0x80  }
0x7: {  	s18 =	simm.s32 $0x400;
	s28 =	simm.s32 $0x4F00;
	s29 =	simm.s32 $0x7680  }
0x8: {  	s30 =	simm.s32 $0x9E00;
	s31 =	simm.s32 $0xC580;
	s14 =	simm.s32 $0x13C00  }
0x9: {  	s15 =	simm.s32 $0x16380;
	s16 =	simm.s32 $0x2;
	s6 =	sand.u32 $0x1, s4  }
0xa: {  	s5 =	sshll.u32 s8, $0x2;
	s4 =	sadd.s32 $0xAA00, s3;
	s8 =	sshrl.u32 s8, $0x1;
	v0, _, _ =	vpop (xrf0)  }
0xb: {  	s7 =	sshll.u32 s6, $0x1;
	s8 =	smul.u32 $0x13C00, s8;
	s6 =	ssub.s32 $0x2, s6;
	(v2sf) =	vpush v0, $0xF  }
0xc: {  	s7 =	sor.u32 s7, s5;
	s5 =	sadd.s32 $0xC00, s3;
	s3 =	sadd.s32 $0x14800, s3  }
0xd: {  	s10 =	sshrl.u32 s6, $0x1;
	s9 =	sshll.u32 s7, $0x7;
	s7 =	sor.u32 $0x41, s7  }
0xe: {  	s6 =	ssub.s32 s6, s10;
	s9 =	sand.u32 $0x300, s9;
	s20 =	sshrl.u32 s7, $0x3  }
0xf: {  	s7 =	sshll.u32 s7, $0x7;
	s26 =	smax.u32 s6, $0x1;
	s6 =	simm.s32 $0x0  }
0x10: {  	s9 =	sor.u32 s8, s9;
	s12 =	smul.u32 $0x13C00, s20;
	s22 =	sand.u32 $0x380, s7  }
0x11: {  	[dreg:$0xa] =	wrdreg s26;
	s20 =	simm.s32 $0x2780;
	s19 =	sshrl.u32 s9, $0x3  }
0x12: {  	s26 =	simm.s32 $0x1C780;
	s23 =	sadd.s32 $0x9E000, s9;
	s11 =	sor.u32 $0x10, s19  }
0x13: {  	s21 =	sadd.s32 s0, s19;
	s24 =	sadd.s32 s3, s19;
	s7 =	sshrl.u32 s23, $0x3  }
0x14: {  	s19 =	simm.s32 $0x3;
	s23 =	simm.s32 $0x19580;
	[dreg:$0x4] =	wrdreg s21  }
0x15: {  	s0 =	sadd.s32 s0, s11;
	[dreg:$0x6] =	wrdreg s24;
	s25 =	sadd.s32 s3, s11  }
0x16: {  	s7 =	sadd.s32 s3, s7;
	s21 =	simm.s32 $0x1;
	[dreg:$0x5] =	wrdreg s0  }
0x17: {  	s24 =	simm.s32 $0x19C80;
	s0 =	sor.u32 s22, s12;
	[dreg:$0x7] =	wrdreg s25  }
0x18: {  	[dreg:$0x8] =	wrdreg s7;
	s22 =	simm.s32 $0x18E80;
	s0 =	sshrl.u32 s0, $0x3  }
0x19: {  	v1 =	vimm.s32 $0x0;
	v2 =	vimm.f32 $0.0e+00;
	s25 =	simm.s32 $0x1A000;
	s0 =	sadd.s32 s3, s0;
	s3 =	simm.s32 $0x11480  }
0x1a: {  	v3 =	vlaneseq.u32;
	vm0 =	vmmov $0xffff;
	v0 =	vimm.f32 $-Inf;
	[dreg:$0x9] =	wrdreg s0;
	s0 =	simm.s32 $0xED00;
	s8 =	spop (v2sf)  }
.LBB2_1:
0x1b: {  	s7 =	simm.s32 $0x18B00  }
0x1c: {  	[tilespmem:s7], [sflag:$0x1] =	stream.linear.gather [hbm4b:s4+s2], $0x320, $0x38;
	[tilespmem:$0x1EF00] =	vst v63  }
0x1d: {  	s10 =	simm.s32 $0x19200  }
0x1e: {  	[tilespmem:s10], [sflag:$0x1] =	stream.linear.gather [hbm4b:s5+s2], $0x320, $0x38;
	[tilespmem:$0x1EF00] =	vst v63  }
0x1f: {  	s11 =	simm.s32 $0x19900  }
0x20: {  	[tilespmem:s11], [sflag:$0x1] =	stream.linear.gather [hbm4b:s1+s2], $0x320, $0x38;
	[tilespmem:$0x1EF00] =	vst v63  }
0x21: {  	s12 =	rddreg [dreg:$0x4]  }
0x22: {  	[tilespmem:s2], [sflag:$0x3] =	stream.strided.gather [hbm4b:s12+s17], $0x2780, s18, s17, $0x38;
	[tilespmem:$0x1EF00] =	vst v63  }
0x23: {  	_ =	swait.ge [sflag:s19], $0x2780  }
0x24: {  	[sflag:s19] =	ssyncset.done $0x0  }
0x25: {  	s13 =	rddreg [dreg:$0x5];
	[sflag:s19] =	ssyncadd.s32 $0xFFFFD880  }
0x26: {  	[tilespmem:s20], [sflag:$0x3] =	stream.strided.gather [hbm4b:s13+s17], $0x2780, s18, s17, $0x38;
	[tilespmem:$0x1EF00] =	vst v63  }
0x27: {  	_ =	swait.ge [sflag:s19], $0x2780  }
0x28: {  	[sflag:s19] =	ssyncset.done $0x0  }
0x29: {  	s9 =	simm.s32 $0x40;
	s7 =	simm.s32 $0x0;
	[sflag:s19] =	ssyncadd.s32 $0xFFFFD880  }
.LBB2_2:
0x2a: {  	p0 =	sne.s32 s9, $0x9C00;
	[tilespmem:s7+$0x16380] =	vst v0  }
0x2b: {  	[tilespmem:s7+$0x4F00] =	vst v0  }
0x2c: {  	[tilespmem:s7+$0x7680] =	vst v0  }
.Ltmp0:
0x2d: {  	[tilespmem:s7+$0x9E00] =	vst v0;
	(pc) =	sbr.rel @p0 .LBB2_2-.Ltmp0, $4  }
0x2e: {  	[tilespmem:s7+$0xC580] =	vst v0  }
0x2f: {  	[tilespmem:s7+$0xED00] =	vst v0  }
0x30: {  	[tilespmem:s7+$0x11480] =	vst v0  }
0x31: {  	[tilespmem:s7+$0x13C00] =	vst v0;
	s7 =	sshra.s32 s9, $0x2;
	s9 =	sadd.s32 $0x40, s9  }
0x32: {  	[tilespmem:s7+$0x16380] =	vst v0  }
0x33: {  	[tilespmem:s7+$0x4F00] =	vst v0  }
0x34: {  	[tilespmem:s7+$0x7680] =	vst v0  }
0x35: {  	[tilespmem:s7+$0x9E00] =	vst v0  }
0x36: {  	[tilespmem:s7+$0xC580] =	vst v0  }
0x37: {  	[tilespmem:s7+$0xED00] =	vst v0  }
0x38: {  	[tilespmem:s7+$0x11480] =	vst v0  }
0x39: {  	[tilespmem:s7+$0x13C00] =	vst v0  }
0x3a: {  	[tilespmem:$0x18E20] =	vst v1  }
0x3b: {  	[tilespmem:$0x19520] =	vst v1  }
0x3c: {  	[tilespmem:$0x19C20] =	vst v2  }
0x3d: {  	[tilespmem:$0x18E30] =	vst v1  }
0x3e: {  	[tilespmem:$0x19530] =	vst v1  }
0x3f: {  	[tilespmem:$0x19C30] =	vst v2  }
0x40: {  	[tilespmem:$0x191A0] =	vst v1  }
.Ltmp1:
0x41: {  	[tilespmem:$0x198A0] =	vst v1;
	(pc) =	sbr.rel .LBB2_4-.Ltmp1, $4  }
0x42: {  	[tilespmem:$0x19FA0] =	vst v2  }
0x43: {  	[tilespmem:$0x191B0] =	vst v1  }
0x44: {  	[tilespmem:$0x198B0] =	vst v1  }
0x45: {  	s7 =	simm.s32 $0x0;
	s9 =	simm.s32 $0x0;
	[tilespmem:$0x19FB0] =	vst v2  }
.LBB2_40:
0x46: {  	s9 =	sadd.s32 $0x1, s9  }
0x47: {  	p0 =	sne.s32 s9, $0xC8  }
.Ltmp2:
0x48: {  	_ = 	snop;
	(pc) =	sbr.rel @!p0 .LBB2_41-.Ltmp2, $1  }
0x49: {  	_ =	sdelay $0x3  }
.LBB2_4:
0x4a: {  	_ =	swait.ge [sflag:s21], $0x320  }
0x4b: {  	[sflag:s21] =	ssyncset.done $0x0  }
0x4c: {  	[sflag:s21] =	ssyncadd.s32 $0xFFFFFCE0  }
0x4d: {  	_ =	swait.ge [sflag:s21], $0x320  }
0x4e: {  	s10 =	smul.u32 $0x640, s9;
	[sflag:s21] =	ssyncset.done $0x0  }
0x4f: {  	[sflag:s21] =	ssyncadd.s32 $0xFFFFFCE0  }
0x50: {  	s11 =	sshrl.u32 s10, $0x3;
	_ =	swait.ge [sflag:s21], $0x320  }
0x51: {  	s11 =	sadd.s32 $0x64, s11;
	[sflag:s21] =	ssyncset.done $0x0  }
0x52: {  	s12 =	sadd.s32 s4, s11;
	[sflag:s21] =	ssyncadd.s32 $0xFFFFFCE0  }
0x53: {  	[tilespmem:s22], [sflag:$0x2] =	stream.linear.gather [hbm4b:s12+s7], $0x320, $0x38;
	[tilespmem:$0x1EF00] =	vst v63  }
0x54: {  	s13 =	sadd.s32 s5, s11  }
0x55: {  	[tilespmem:s23], [sflag:$0x2] =	stream.linear.gather [hbm4b:s13+s7], $0x320, $0x38;
	[tilespmem:$0x1EF00] =	vst v63  }
0x56: {  	s11 =	sadd.s32 s1, s11  }
0x57: {  	[tilespmem:s24], [sflag:$0x2] =	stream.linear.gather [hbm4b:s11+s7], $0x320, $0x38;
	[tilespmem:$0x1EF00] =	vst v63  }
0x58: {  	v15 =	vld [tilespmem:$0x19200]  }
0x59: {  	v4 =	vld [tilespmem:$0x19210];
	_ =	sdelay $0x3  }
0x5a: {  	v7 =	vld [tilespmem:$0x18B00]  }
0x5b: {  	v6 =	vld [tilespmem:$0x19900]  }
0x5c: {  	v9 =	vld [tilespmem:$0x18B10]  }
0x5d: {  	v5 =	vld [tilespmem:$0x19910];
	[tilespmem:v15+s25+$0x0] =	vst.idx.msk $0xffff, v3  }
0x5e: {  	v8 =	vld.idx.msk [tilespmem:v15+s25+$0x0], $0xffff;
	[tilespmem:v4+s26+$0x0] =	vst.idx.msk $0xffff, v3  }
0x5f: {  	v10 =	vld.idx.msk [tilespmem:v4+s26+$0x0], $0xffff;
	_ =	sdelay $0x4  }
0x60: {  	vm1 =	vne.s32 v8, v3;
	vm2 =	vne.s32 v10, v3  }
0x61: {  	vm1 =	vmor vm1, vm2  }
0x62: {  	v8 =	vmpcnt.ones.xlane vm1;
	_ =	sdelay $0x1  }
0x63: {  	(v2sf) =	vpush v8, $0x0;
	_ =	sdelay $0xa  }
.Ltmp3:
0x64: {  	_ = 	snop;
	(pc) =	sbr.rel .LBB2_5-.Ltmp3, $4  }
0x65: {  	v12 =	vld.idx.msk [tilespmem:v7+s7+$0x0], $0xffff  }
0x66: {  	v13 =	vld.idx.msk [tilespmem:v7+s20+$0x0], $0xffff  }
0x67: {  	v8 =	vld.idx.msk [tilespmem:v9+s7+$0x0], $0xffff  }
0x68: {  	s11 =	simm.s32 $0x0;
	v9 =	vld.idx.msk [tilespmem:v9+s20+$0x0], $0xffff;
	s12 =	spop (v2sf)  }
.LBB2_21:
0x69: {  	p0 =	sne.s32 s11, $0x19  }
.Ltmp4:
0x6a: {  	v4 =	vmov v10;
	v15 =	vmov v7;
	(pc) =	sbr.rel @!p0 .LBB2_22-.Ltmp4, $1  }
0x6b: {  	_ =	sdelay $0x3  }
.LBB2_5:
0x6c: {  	_ =	sdelay $0x3  }
0x6d: {  	v23 =	vld.idx.msk [tilespmem:v15+s28+$0x0], $0xffff  }
0x6e: {  	v24 =	vld.idx.msk [tilespmem:v15+s29+$0x0], $0xffff  }
0x6f: {  	v25 =	vld.idx.msk [tilespmem:v15+s30+$0x0], $0xffff;
	v7 =	vshll.u32 v12, $0x10  }
0x70: {  	s11 =	sadd.s32 $0x1, s11;
	v26 =	vld.idx.msk [tilespmem:v15+s31+$0x0], $0xffff;
	v21 =	vmul.f32 v7, v6;
	v7 =	vshll.u32 v13, $0x10  }
0x71: {  	v27 =	vld.idx.msk [tilespmem:v4+s0+$0x0], $0xffff;
	s13 =	sshll.u32 s11, $0x5;
	v10 =	vand.u32 $0xFFFF0000, v13;
	v20 =	vmul.f32 v7, v6;
	v7 =	vand.u32 $0xFFFF0000, v12  }
0x72: {  	v18 =	vmul.f32 v10, v6;
	v19 =	vmul.f32 v7, v6;
	v7 =	vld [tilespmem:s13+$0x19200];
	v10 =	vshll.u32 v9, $0x10  }
0x73: {  	v16 =	vmul.f32 v10, v5;
	v10 =	vld [tilespmem:s13+$0x19210]  }
0x74: {  	v28 =	vld.idx.msk [tilespmem:v4+s3+$0x0], $0xffff  }
0x75: {  	v29 =	vld.idx.msk [tilespmem:v4+s14+$0x0], $0xffff  }
0x76: {  	v30 =	vld.idx.msk [tilespmem:v4+s15+$0x0], $0xffff  }
0x77: {  	v13 =	vld [tilespmem:s13+$0x18B00]  }
0x78: {  	v22 =	vld [tilespmem:s13+$0x18B10];
	v6 =	vshll.u32 v8, $0x10  }
0x79: {  	v8 =	vand.u32 $0xFFFF0000, v8;
	v9 =	vand.u32 $0xFFFF0000, v9;
	v17 =	vmul.f32 v6, v5;
	v6 =	vld [tilespmem:s13+$0x19900]  }
0x7a: {  	v14 =	vmul.f32 v8, v5;
	v11 =	vmul.f32 v9, v5;
	v5 =	vld [tilespmem:s13+$0x19910];
	[tilespmem:v7+s25+$0x0] =	vst.idx.msk $0xffff, v3  }
0x7b: {  	v8 =	vld.idx.msk [tilespmem:v7+s25+$0x0], $0xffff;
	[tilespmem:v10+s26+$0x0] =	vst.idx.msk $0xffff, v3  }
0x7c: {  	v9 =	vld.idx.msk [tilespmem:v10+s26+$0x0], $0xffff;
	_ =	sdelay $0x4  }
0x7d: {  	vm1 =	vne.s32 v8, v3;
	vm2 =	vne.s32 v9, v3  }
0x7e: {  	vm1 =	vmor vm1, vm2  }
0x7f: {  	v8 =	vmpcnt.ones.xlane vm1;
	_ =	sdelay $0x1  }
0x80: {  	(v2sf) =	vpush v8, $0x0;
	_ =	sdelay $0x4  }
0x81: {  	v12 =	vld.idx.msk [tilespmem:v13+s2+$0x0], $0xffff  }
0x82: {  	v9 =	vld.idx.msk [tilespmem:v22+s20+$0x0], $0xffff  }
0x83: {  	p0 =	slt.s32 s12, $0x1;
	v8 =	vld.idx.msk [tilespmem:v22+s2+$0x0], $0xffff;
	v22 =	vmax.f32 v23, v21  }
0x84: {  	p1 =	sgt.f32 @!p0 s8, $0.0e+00;
	v13 =	vld.idx.msk [tilespmem:v13+s20+$0x0], $0xffff;
	v23 =	vmax.f32 v27, v17;
	[tilespmem:v15+s28+$0x0] =	vst.idx.msk $0xffff, v22  }
0x85: {  	v22 =	vmax.f32 v24, v20;
	[tilespmem:v4+s0+$0x0] =	vst.idx.msk $0xffff, v23  }
0x86: {  	p0 =	por p0, !p1;
	v23 =	vmax.f32 v28, v16;
	[tilespmem:v15+s29+$0x0] =	vst.idx.msk $0xffff, v22  }
.Ltmp5:
0x87: {  	v22 =	vmax.f32 v25, v19;
	[tilespmem:v4+s3+$0x0] =	vst.idx.msk $0xffff, v23;
	(pc) =	sbr.rel @p0 .LBB2_21-.Ltmp5, $4  }
0x88: {  	v23 =	vmax.f32 v29, v14;
	[tilespmem:v15+s30+$0x0] =	vst.idx.msk $0xffff, v22  }
0x89: {  	v22 =	vmax.f32 v26, v18;
	[tilespmem:v4+s14+$0x0] =	vst.idx.msk $0xffff, v23  }
0x8a: {  	v23 =	vmax.f32 v30, v11;
	[tilespmem:v15+s31+$0x0] =	vst.idx.msk $0xffff, v22  }
0x8b: {  	vm1 =	vmmov vm0;
	[tilespmem:v4+s15+$0x0] =	vst.idx.msk $0xffff, v23;
	s12 =	spop (v2sf)  }
.LBB2_6:
0x8c: {  	v22 =	vld.idx.msk [tilespmem:v15+s28+$0x0], $0xffff;
	_ =	sdelay $0x4  }
0x8d: {  	v22 =	vmax.f32 v22, v21  }
0x8e: {  	[tilespmem:v15+s28+$0x0] =	vst.idx.msk vm1, v22  }
0x8f: {  	v22 =	vld.idx.msk [tilespmem:v15+s28+$0x0], $0xffff;
	_ =	sdelay $0x4  }
0x90: {  	vm2 =	vlt.f32 v22, v21  }
0x91: {  	vm1 =	vmand vm1, vm2  }
0x92: {  	v22 =	vsel vm1, $0x3F800000, v2  }
0x93: {  	(xrf0) =	vmax.scan.msk.f32 $0xffff, v22;
	_ =	sdelay $0x5  }
0x94: {  	v22, _, _ =	vpop (xrf0)  }
0x95: {  	(v2sf) =	vpush v22, $0xF;
	_ =	sdelay $0xe  }
0x96: {  	s13 =	spop (v2sf)  }
0x97: {  	p0 =	sgt.f32 s13, $0.0e+00  }
.Ltmp6:
0x98: {  	_ = 	snop;
	(pc) =	sbr.rel @p0 .LBB2_6-.Ltmp6, $1  }
0x99: {  	_ =	sdelay $0x3  }
0x9a: {  	vm1 =	vmmov vm0  }
.LBB2_8:
0x9b: {  	v21 =	vld.idx.msk [tilespmem:v15+s29+$0x0], $0xffff;
	_ =	sdelay $0x4  }
0x9c: {  	v21 =	vmax.f32 v21, v20  }
0x9d: {  	[tilespmem:v15+s29+$0x0] =	vst.idx.msk vm1, v21  }
0x9e: {  	v21 =	vld.idx.msk [tilespmem:v15+s29+$0x0], $0xffff;
	_ =	sdelay $0x4  }
0x9f: {  	vm2 =	vlt.f32 v21, v20  }
0xa0: {  	vm1 =	vmand vm1, vm2  }
0xa1: {  	v21 =	vsel vm1, $0x3F800000, v2  }
0xa2: {  	(xrf0) =	vmax.scan.msk.f32 $0xffff, v21;
	_ =	sdelay $0x5  }
0xa3: {  	v21, _, _ =	vpop (xrf0)  }
0xa4: {  	(v2sf) =	vpush v21, $0xF;
	_ =	sdelay $0xe  }
0xa5: {  	s13 =	spop (v2sf)  }
0xa6: {  	p0 =	sgt.f32 s13, $0.0e+00  }
.Ltmp7:
0xa7: {  	_ = 	snop;
	(pc) =	sbr.rel @p0 .LBB2_8-.Ltmp7, $1  }
0xa8: {  	_ =	sdelay $0x3  }
0xa9: {  	vm1 =	vmmov vm0  }
.LBB2_10:
0xaa: {  	v20 =	vld.idx.msk [tilespmem:v15+s30+$0x0], $0xffff;
	_ =	sdelay $0x4  }
0xab: {  	v20 =	vmax.f32 v20, v19  }
0xac: {  	[tilespmem:v15+s30+$0x0] =	vst.idx.msk vm1, v20  }
0xad: {  	v20 =	vld.idx.msk [tilespmem:v15+s30+$0x0], $0xffff;
	_ =	sdelay $0x4  }
0xae: {  	vm2 =	vlt.f32 v20, v19  }
0xaf: {  	vm1 =	vmand vm1, vm2  }
0xb0: {  	v20 =	vsel vm1, $0x3F800000, v2  }
0xb1: {  	(xrf0) =	vmax.scan.msk.f32 $0xffff, v20;
	_ =	sdelay $0x5  }
0xb2: {  	v20, _, _ =	vpop (xrf0)  }
0xb3: {  	(v2sf) =	vpush v20, $0xF;
	_ =	sdelay $0xe  }
0xb4: {  	s13 =	spop (v2sf)  }
0xb5: {  	p0 =	sgt.f32 s13, $0.0e+00  }
.Ltmp8:
0xb6: {  	_ = 	snop;
	(pc) =	sbr.rel @p0 .LBB2_10-.Ltmp8, $1  }
0xb7: {  	_ =	sdelay $0x3  }
0xb8: {  	vm1 =	vmmov vm0  }
.LBB2_12:
0xb9: {  	v19 =	vld.idx.msk [tilespmem:v15+s31+$0x0], $0xffff;
	_ =	sdelay $0x4  }
0xba: {  	v19 =	vmax.f32 v19, v18  }
0xbb: {  	[tilespmem:v15+s31+$0x0] =	vst.idx.msk vm1, v19  }
0xbc: {  	v19 =	vld.idx.msk [tilespmem:v15+s31+$0x0], $0xffff;
	_ =	sdelay $0x4  }
0xbd: {  	vm2 =	vlt.f32 v19, v18  }
0xbe: {  	vm1 =	vmand vm1, vm2  }
0xbf: {  	v19 =	vsel vm1, $0x3F800000, v2  }
0xc0: {  	(xrf0) =	vmax.scan.msk.f32 $0xffff, v19;
	_ =	sdelay $0x5  }
0xc1: {  	v19, _, _ =	vpop (xrf0)  }
0xc2: {  	(v2sf) =	vpush v19, $0xF;
	_ =	sdelay $0xe  }
0xc3: {  	s13 =	spop (v2sf)  }
0xc4: {  	p0 =	sgt.f32 s13, $0.0e+00  }
.Ltmp9:
0xc5: {  	_ = 	snop;
	(pc) =	sbr.rel @p0 .LBB2_12-.Ltmp9, $1  }
0xc6: {  	_ =	sdelay $0x3  }
0xc7: {  	vm1 =	vmmov vm0  }
.LBB2_14:
0xc8: {  	v15 =	vld.idx.msk [tilespmem:v4+s0+$0x0], $0xffff;
	_ =	sdelay $0x4  }
0xc9: {  	v15 =	vmax.f32 v15, v17  }
0xca: {  	[tilespmem:v4+s0+$0x0] =	vst.idx.msk vm1, v15  }
0xcb: {  	v15 =	vld.idx.msk [tilespmem:v4+s0+$0x0], $0xffff;
	_ =	sdelay $0x4  }
0xcc: {  	vm2 =	vlt.f32 v15, v17  }
0xcd: {  	vm1 =	vmand vm1, vm2  }
0xce: {  	v15 =	vsel vm1, $0x3F800000, v2  }
0xcf: {  	(xrf0) =	vmax.scan.msk.f32 $0xffff, v15;
	_ =	sdelay $0x5  }
0xd0: {  	v15, _, _ =	vpop (xrf0)  }
0xd1: {  	(v2sf) =	vpush v15, $0xF;
	_ =	sdelay $0xe  }
0xd2: {  	s13 =	spop (v2sf)  }
0xd3: {  	p0 =	sgt.f32 s13, $0.0e+00  }
.Ltmp10:
0xd4: {  	_ = 	snop;
	(pc) =	sbr.rel @p0 .LBB2_14-.Ltmp10, $1  }
0xd5: {  	_ =	sdelay $0x3  }
0xd6: {  	vm1 =	vmmov vm0  }
.LBB2_16:
0xd7: {  	v15 =	vld.idx.msk [tilespmem:v4+s3+$0x0], $0xffff;
	_ =	sdelay $0x4  }
0xd8: {  	v15 =	vmax.f32 v15, v16  }
0xd9: {  	[tilespmem:v4+s3+$0x0] =	vst.idx.msk vm1, v15  }
0xda: {  	v15 =	vld.idx.msk [tilespmem:v4+s3+$0x0], $0xffff;
	_ =	sdelay $0x4  }
0xdb: {  	vm2 =	vlt.f32 v15, v16  }
0xdc: {  	vm1 =	vmand vm1, vm2  }
0xdd: {  	v15 =	vsel vm1, $0x3F800000, v2  }
0xde: {  	(xrf0) =	vmax.scan.msk.f32 $0xffff, v15;
	_ =	sdelay $0x5  }
0xdf: {  	v15, _, _ =	vpop (xrf0)  }
0xe0: {  	(v2sf) =	vpush v15, $0xF;
	_ =	sdelay $0xe  }
0xe1: {  	s13 =	spop (v2sf)  }
0xe2: {  	p0 =	sgt.f32 s13, $0.0e+00  }
.Ltmp11:
0xe3: {  	_ = 	snop;
	(pc) =	sbr.rel @p0 .LBB2_16-.Ltmp11, $1  }
0xe4: {  	_ =	sdelay $0x3  }
0xe5: {  	vm1 =	vmmov vm0  }
.LBB2_18:
0xe6: {  	v15 =	vld.idx.msk [tilespmem:v4+s14+$0x0], $0xffff;
	_ =	sdelay $0x4  }
0xe7: {  	v15 =	vmax.f32 v15, v14  }
0xe8: {  	[tilespmem:v4+s14+$0x0] =	vst.idx.msk vm1, v15  }
0xe9: {  	v15 =	vld.idx.msk [tilespmem:v4+s14+$0x0], $0xffff;
	_ =	sdelay $0x4  }
0xea: {  	vm2 =	vlt.f32 v15, v14  }
0xeb: {  	vm1 =	vmand vm1, vm2  }
0xec: {  	v15 =	vsel vm1, $0x3F800000, v2  }
0xed: {  	(xrf0) =	vmax.scan.msk.f32 $0xffff, v15;
	_ =	sdelay $0x5  }
0xee: {  	v15, _, _ =	vpop (xrf0)  }
0xef: {  	(v2sf) =	vpush v15, $0xF;
	_ =	sdelay $0xe  }
0xf0: {  	s13 =	spop (v2sf)  }
0xf1: {  	p0 =	sgt.f32 s13, $0.0e+00  }
.Ltmp12:
0xf2: {  	_ = 	snop;
	(pc) =	sbr.rel @p0 .LBB2_18-.Ltmp12, $1  }
0xf3: {  	_ =	sdelay $0x3  }
0xf4: {  	vm1 =	vmmov vm0  }
.LBB2_20:
0xf5: {  	v14 =	vld.idx.msk [tilespmem:v4+s15+$0x0], $0xffff;
	_ =	sdelay $0x4  }
0xf6: {  	v14 =	vmax.f32 v14, v11  }
0xf7: {  	[tilespmem:v4+s15+$0x0] =	vst.idx.msk vm1, v14  }
0xf8: {  	v14 =	vld.idx.msk [tilespmem:v4+s15+$0x0], $0xffff;
	_ =	sdelay $0x4  }
0xf9: {  	vm2 =	vlt.f32 v14, v11  }
0xfa: {  	vm1 =	vmand vm1, vm2  }
0xfb: {  	v14 =	vsel vm1, $0x3F800000, v2  }
0xfc: {  	(xrf0) =	vmax.scan.msk.f32 $0xffff, v14;
	_ =	sdelay $0x5  }
0xfd: {  	v14, _, _ =	vpop (xrf0)  }
0xfe: {  	(v2sf) =	vpush v14, $0xF;
	_ =	sdelay $0xe  }
0xff: {  	s13 =	spop (v2sf)  }
0x100: {  	p0 =	sgt.f32 s13, $0.0e+00  }
.Ltmp13:
0x101: {  	_ = 	snop;
	(pc) =	sbr.rel @p0 .LBB2_20-.Ltmp13, $1  }
0x102: {  	_ =	sdelay $0x3  }
.Ltmp14:
0x103: {  	_ = 	snop;
	(pc) =	sbr.rel .LBB2_21-.Ltmp14, $1  }
0x104: {  	_ =	sdelay $0x3  }
.LBB2_22:
0x105: {  	_ =	swait.ge [sflag:s16], $0x320  }
0x106: {  	[sflag:s16] =	ssyncset.done $0x0  }
0x107: {  	[sflag:s16] =	ssyncadd.s32 $0xFFFFFCE0  }
0x108: {  	_ =	swait.ge [sflag:s16], $0x320  }
0x109: {  	[sflag:s16] =	ssyncset.done $0x0  }
0x10a: {  	p0 =	seq.s32 s9, $0xC7;
	[sflag:s16] =	ssyncadd.s32 $0xFFFFFCE0  }
0x10b: {  	s10 =	sshrl.u32 @!p0 s10, $0x3;
	_ =	swait.ge [sflag:s16], $0x320  }
0x10c: {  	s12 =	simm.s32 @!p0 $0x0;
	s10 =	sadd.s32 @!p0 $0xC8, s10;
	[sflag:s16] =	ssyncset.done $0x0  }
0x10d: {  	s13 =	simm.s32 @!p0 $0x18B00;
	s11 =	sadd.s32 @!p0 s4, s10;
	[sflag:s16] =	ssyncadd.s32 $0xFFFFFCE0  }
0x10e: {  	[tilespmem:s13], [sflag:$0x1] =	stream.linear.gather @!p0 [hbm4b:s11+s12], $0x320, $0x38;
	[tilespmem:$0x1EF00] =	vst v63  }
0x10f: {  	s11 =	sadd.s32 @!p0 s5, s10;
	s13 =	simm.s32 @!p0 $0x19200  }
0x110: {  	[tilespmem:s13], [sflag:$0x1] =	stream.linear.gather @!p0 [hbm4b:s11+s12], $0x320, $0x38;
	[tilespmem:$0x1EF00] =	vst v63  }
0x111: {  	s10 =	sadd.s32 @!p0 s1, s10;
	s11 =	simm.s32 @!p0 $0x19900  }
0x112: {  	[tilespmem:s11], [sflag:$0x1] =	stream.linear.gather @!p0 [hbm4b:s10+s12], $0x320, $0x38;
	[tilespmem:$0x1EF00] =	vst v63  }
0x113: {  	v15 =	vld [tilespmem:$0x19580]  }
0x114: {  	v4 =	vld [tilespmem:$0x19590];
	_ =	sdelay $0x3  }
0x115: {  	v7 =	vld [tilespmem:$0x18E80]  }
0x116: {  	v6 =	vld [tilespmem:$0x19C80]  }
0x117: {  	v9 =	vld [tilespmem:$0x18E90]  }
0x118: {  	v5 =	vld [tilespmem:$0x19C90];
	[tilespmem:v15+s25+$0x0] =	vst.idx.msk $0xffff, v3  }
0x119: {  	v8 =	vld.idx.msk [tilespmem:v15+s25+$0x0], $0xffff;
	[tilespmem:v4+s26+$0x0] =	vst.idx.msk $0xffff, v3  }
0x11a: {  	v10 =	vld.idx.msk [tilespmem:v4+s26+$0x0], $0xffff;
	_ =	sdelay $0x4  }
0x11b: {  	vm1 =	vne.s32 v8, v3;
	vm2 =	vne.s32 v10, v3  }
0x11c: {  	vm1 =	vmor vm1, vm2  }
0x11d: {  	v8 =	vmpcnt.ones.xlane vm1;
	_ =	sdelay $0x1  }
0x11e: {  	(v2sf) =	vpush v8, $0x0;
	_ =	sdelay $0xa  }
.Ltmp15:
0x11f: {  	s10 =	simm.s32 $0x0;
	(pc) =	sbr.rel .LBB2_23-.Ltmp15, $4  }
0x120: {  	v12 =	vld.idx.msk [tilespmem:v7+s10+$0x0], $0xffff  }
0x121: {  	v13 =	vld.idx.msk [tilespmem:v7+s20+$0x0], $0xffff  }
0x122: {  	v8 =	vld.idx.msk [tilespmem:v9+s10+$0x0], $0xffff  }
0x123: {  	v9 =	vld.idx.msk [tilespmem:v9+s20+$0x0], $0xffff;
	s11 =	spop (v2sf)  }
.LBB2_39:
0x124: {  	p0 =	sne.s32 s10, $0x19  }
.Ltmp16:
0x125: {  	v4 =	vmov v10;
	v15 =	vmov v7;
	(pc) =	sbr.rel @!p0 .LBB2_40-.Ltmp16, $1  }
0x126: {  	_ =	sdelay $0x3  }
.LBB2_23:
0x127: {  	_ =	sdelay $0x3  }
0x128: {  	v23 =	vld.idx.msk [tilespmem:v15+s28+$0x0], $0xffff  }
0x129: {  	v24 =	vld.idx.msk [tilespmem:v15+s29+$0x0], $0xffff  }
0x12a: {  	v25 =	vld.idx.msk [tilespmem:v15+s30+$0x0], $0xffff;
	v7 =	vshll.u32 v12, $0x10  }
0x12b: {  	s10 =	sadd.s32 $0x1, s10;
	v26 =	vld.idx.msk [tilespmem:v15+s31+$0x0], $0xffff;
	v21 =	vmul.f32 v7, v6;
	v7 =	vshll.u32 v13, $0x10  }
0x12c: {  	v27 =	vld.idx.msk [tilespmem:v4+s0+$0x0], $0xffff;
	s12 =	sshll.u32 s10, $0x5;
	v10 =	vand.u32 $0xFFFF0000, v13;
	v20 =	vmul.f32 v7, v6;
	v7 =	vand.u32 $0xFFFF0000, v12  }
0x12d: {  	v18 =	vmul.f32 v10, v6;
	v19 =	vmul.f32 v7, v6;
	v7 =	vld [tilespmem:s12+$0x19580];
	v10 =	vshll.u32 v9, $0x10  }
0x12e: {  	v16 =	vmul.f32 v10, v5;
	v10 =	vld [tilespmem:s12+$0x19590]  }
0x12f: {  	v28 =	vld.idx.msk [tilespmem:v4+s3+$0x0], $0xffff  }
0x130: {  	v29 =	vld.idx.msk [tilespmem:v4+s14+$0x0], $0xffff  }
0x131: {  	v30 =	vld.idx.msk [tilespmem:v4+s15+$0x0], $0xffff  }
0x132: {  	v13 =	vld [tilespmem:s12+$0x18E80]  }
0x133: {  	v22 =	vld [tilespmem:s12+$0x18E90];
	v6 =	vshll.u32 v8, $0x10  }
0x134: {  	v8 =	vand.u32 $0xFFFF0000, v8;
	v9 =	vand.u32 $0xFFFF0000, v9;
	v17 =	vmul.f32 v6, v5;
	v6 =	vld [tilespmem:s12+$0x19C80]  }
0x135: {  	v14 =	vmul.f32 v8, v5;
	v11 =	vmul.f32 v9, v5;
	v5 =	vld [tilespmem:s12+$0x19C90];
	[tilespmem:v7+s25+$0x0] =	vst.idx.msk $0xffff, v3  }
0x136: {  	v8 =	vld.idx.msk [tilespmem:v7+s25+$0x0], $0xffff;
	[tilespmem:v10+s26+$0x0] =	vst.idx.msk $0xffff, v3  }
0x137: {  	v9 =	vld.idx.msk [tilespmem:v10+s26+$0x0], $0xffff;
	_ =	sdelay $0x4  }
0x138: {  	vm1 =	vne.s32 v8, v3;
	vm2 =	vne.s32 v9, v3  }
0x139: {  	vm1 =	vmor vm1, vm2  }
0x13a: {  	v8 =	vmpcnt.ones.xlane vm1;
	_ =	sdelay $0x1  }
0x13b: {  	(v2sf) =	vpush v8, $0x0;
	_ =	sdelay $0x4  }
0x13c: {  	v12 =	vld.idx.msk [tilespmem:v13+s2+$0x0], $0xffff  }
0x13d: {  	v9 =	vld.idx.msk [tilespmem:v22+s20+$0x0], $0xffff  }
0x13e: {  	p0 =	slt.s32 s11, $0x1;
	v8 =	vld.idx.msk [tilespmem:v22+s2+$0x0], $0xffff;
	v22 =	vmax.f32 v23, v21  }
0x13f: {  	p1 =	sgt.f32 @!p0 s8, $0.0e+00;
	v13 =	vld.idx.msk [tilespmem:v13+s20+$0x0], $0xffff;
	v23 =	vmax.f32 v27, v17;
	[tilespmem:v15+s28+$0x0] =	vst.idx.msk $0xffff, v22  }
0x140: {  	v22 =	vmax.f32 v24, v20;
	[tilespmem:v4+s0+$0x0] =	vst.idx.msk $0xffff, v23  }
0x141: {  	p0 =	por p0, !p1;
	v23 =	vmax.f32 v28, v16;
	[tilespmem:v15+s29+$0x0] =	vst.idx.msk $0xffff, v22  }
.Ltmp17:
0x142: {  	v22 =	vmax.f32 v25, v19;
	[tilespmem:v4+s3+$0x0] =	vst.idx.msk $0xffff, v23;
	(pc) =	sbr.rel @p0 .LBB2_39-.Ltmp17, $4  }
0x143: {  	v23 =	vmax.f32 v29, v14;
	[tilespmem:v15+s30+$0x0] =	vst.idx.msk $0xffff, v22  }
0x144: {  	v22 =	vmax.f32 v26, v18;
	[tilespmem:v4+s14+$0x0] =	vst.idx.msk $0xffff, v23  }
0x145: {  	v23 =	vmax.f32 v30, v11;
	[tilespmem:v15+s31+$0x0] =	vst.idx.msk $0xffff, v22  }
0x146: {  	vm1 =	vmmov vm0;
	[tilespmem:v4+s15+$0x0] =	vst.idx.msk $0xffff, v23;
	s11 =	spop (v2sf)  }
.LBB2_24:
0x147: {  	v22 =	vld.idx.msk [tilespmem:v15+s28+$0x0], $0xffff;
	_ =	sdelay $0x4  }
0x148: {  	v22 =	vmax.f32 v22, v21  }
0x149: {  	[tilespmem:v15+s28+$0x0] =	vst.idx.msk vm1, v22  }
0x14a: {  	v22 =	vld.idx.msk [tilespmem:v15+s28+$0x0], $0xffff;
	_ =	sdelay $0x4  }
0x14b: {  	vm2 =	vlt.f32 v22, v21  }
0x14c: {  	vm1 =	vmand vm1, vm2  }
0x14d: {  	v22 =	vsel vm1, $0x3F800000, v2  }
0x14e: {  	(xrf0) =	vmax.scan.msk.f32 $0xffff, v22;
	_ =	sdelay $0x5  }
0x14f: {  	v22, _, _ =	vpop (xrf0)  }
0x150: {  	(v2sf) =	vpush v22, $0xF;
	_ =	sdelay $0xe  }
0x151: {  	s12 =	spop (v2sf)  }
0x152: {  	p0 =	sgt.f32 s12, $0.0e+00  }
.Ltmp18:
0x153: {  	_ = 	snop;
	(pc) =	sbr.rel @p0 .LBB2_24-.Ltmp18, $1  }
0x154: {  	_ =	sdelay $0x3  }
0x155: {  	vm1 =	vmmov vm0  }
.LBB2_26:
0x156: {  	v21 =	vld.idx.msk [tilespmem:v15+s29+$0x0], $0xffff;
	_ =	sdelay $0x4  }
0x157: {  	v21 =	vmax.f32 v21, v20  }
0x158: {  	[tilespmem:v15+s29+$0x0] =	vst.idx.msk vm1, v21  }
0x159: {  	v21 =	vld.idx.msk [tilespmem:v15+s29+$0x0], $0xffff;
	_ =	sdelay $0x4  }
0x15a: {  	vm2 =	vlt.f32 v21, v20  }
0x15b: {  	vm1 =	vmand vm1, vm2  }
0x15c: {  	v21 =	vsel vm1, $0x3F800000, v2  }
0x15d: {  	(xrf0) =	vmax.scan.msk.f32 $0xffff, v21;
	_ =	sdelay $0x5  }
0x15e: {  	v21, _, _ =	vpop (xrf0)  }
0x15f: {  	(v2sf) =	vpush v21, $0xF;
	_ =	sdelay $0xe  }
0x160: {  	s12 =	spop (v2sf)  }
0x161: {  	p0 =	sgt.f32 s12, $0.0e+00  }
.Ltmp19:
0x162: {  	_ = 	snop;
	(pc) =	sbr.rel @p0 .LBB2_26-.Ltmp19, $1  }
0x163: {  	_ =	sdelay $0x3  }
0x164: {  	vm1 =	vmmov vm0  }
.LBB2_28:
0x165: {  	v20 =	vld.idx.msk [tilespmem:v15+s30+$0x0], $0xffff;
	_ =	sdelay $0x4  }
0x166: {  	v20 =	vmax.f32 v20, v19  }
0x167: {  	[tilespmem:v15+s30+$0x0] =	vst.idx.msk vm1, v20  }
0x168: {  	v20 =	vld.idx.msk [tilespmem:v15+s30+$0x0], $0xffff;
	_ =	sdelay $0x4  }
0x169: {  	vm2 =	vlt.f32 v20, v19  }
0x16a: {  	vm1 =	vmand vm1, vm2  }
0x16b: {  	v20 =	vsel vm1, $0x3F800000, v2  }
0x16c: {  	(xrf0) =	vmax.scan.msk.f32 $0xffff, v20;
	_ =	sdelay $0x5  }
0x16d: {  	v20, _, _ =	vpop (xrf0)  }
0x16e: {  	(v2sf) =	vpush v20, $0xF;
	_ =	sdelay $0xe  }
0x16f: {  	s12 =	spop (v2sf)  }
0x170: {  	p0 =	sgt.f32 s12, $0.0e+00  }
.Ltmp20:
0x171: {  	_ = 	snop;
	(pc) =	sbr.rel @p0 .LBB2_28-.Ltmp20, $1  }
0x172: {  	_ =	sdelay $0x3  }
0x173: {  	vm1 =	vmmov vm0  }
.LBB2_30:
0x174: {  	v19 =	vld.idx.msk [tilespmem:v15+s31+$0x0], $0xffff;
	_ =	sdelay $0x4  }
0x175: {  	v19 =	vmax.f32 v19, v18  }
0x176: {  	[tilespmem:v15+s31+$0x0] =	vst.idx.msk vm1, v19  }
0x177: {  	v19 =	vld.idx.msk [tilespmem:v15+s31+$0x0], $0xffff;
	_ =	sdelay $0x4  }
0x178: {  	vm2 =	vlt.f32 v19, v18  }
0x179: {  	vm1 =	vmand vm1, vm2  }
0x17a: {  	v19 =	vsel vm1, $0x3F800000, v2  }
0x17b: {  	(xrf0) =	vmax.scan.msk.f32 $0xffff, v19;
	_ =	sdelay $0x5  }
0x17c: {  	v19, _, _ =	vpop (xrf0)  }
0x17d: {  	(v2sf) =	vpush v19, $0xF;
	_ =	sdelay $0xe  }
0x17e: {  	s12 =	spop (v2sf)  }
0x17f: {  	p0 =	sgt.f32 s12, $0.0e+00  }
.Ltmp21:
0x180: {  	_ = 	snop;
	(pc) =	sbr.rel @p0 .LBB2_30-.Ltmp21, $1  }
0x181: {  	_ =	sdelay $0x3  }
0x182: {  	vm1 =	vmmov vm0  }
.LBB2_32:
0x183: {  	v15 =	vld.idx.msk [tilespmem:v4+s0+$0x0], $0xffff;
	_ =	sdelay $0x4  }
0x184: {  	v15 =	vmax.f32 v15, v17  }
0x185: {  	[tilespmem:v4+s0+$0x0] =	vst.idx.msk vm1, v15  }
0x186: {  	v15 =	vld.idx.msk [tilespmem:v4+s0+$0x0], $0xffff;
	_ =	sdelay $0x4  }
0x187: {  	vm2 =	vlt.f32 v15, v17  }
0x188: {  	vm1 =	vmand vm1, vm2  }
0x189: {  	v15 =	vsel vm1, $0x3F800000, v2  }
0x18a: {  	(xrf0) =	vmax.scan.msk.f32 $0xffff, v15;
	_ =	sdelay $0x5  }
0x18b: {  	v15, _, _ =	vpop (xrf0)  }
0x18c: {  	(v2sf) =	vpush v15, $0xF;
	_ =	sdelay $0xe  }
0x18d: {  	s12 =	spop (v2sf)  }
0x18e: {  	p0 =	sgt.f32 s12, $0.0e+00  }
.Ltmp22:
0x18f: {  	_ = 	snop;
	(pc) =	sbr.rel @p0 .LBB2_32-.Ltmp22, $1  }
0x190: {  	_ =	sdelay $0x3  }
0x191: {  	vm1 =	vmmov vm0  }
.LBB2_34:
0x192: {  	v15 =	vld.idx.msk [tilespmem:v4+s3+$0x0], $0xffff;
	_ =	sdelay $0x4  }
0x193: {  	v15 =	vmax.f32 v15, v16  }
0x194: {  	[tilespmem:v4+s3+$0x0] =	vst.idx.msk vm1, v15  }
0x195: {  	v15 =	vld.idx.msk [tilespmem:v4+s3+$0x0], $0xffff;
	_ =	sdelay $0x4  }
0x196: {  	vm2 =	vlt.f32 v15, v16  }
0x197: {  	vm1 =	vmand vm1, vm2  }
0x198: {  	v15 =	vsel vm1, $0x3F800000, v2  }
0x199: {  	(xrf0) =	vmax.scan.msk.f32 $0xffff, v15;
	_ =	sdelay $0x5  }
0x19a: {  	v15, _, _ =	vpop (xrf0)  }
0x19b: {  	(v2sf) =	vpush v15, $0xF;
	_ =	sdelay $0xe  }
0x19c: {  	s12 =	spop (v2sf)  }
0x19d: {  	p0 =	sgt.f32 s12, $0.0e+00  }
.Ltmp23:
0x19e: {  	_ = 	snop;
	(pc) =	sbr.rel @p0 .LBB2_34-.Ltmp23, $1  }
0x19f: {  	_ =	sdelay $0x3  }
0x1a0: {  	vm1 =	vmmov vm0  }
.LBB2_36:
0x1a1: {  	v15 =	vld.idx.msk [tilespmem:v4+s14+$0x0], $0xffff;
	_ =	sdelay $0x4  }
0x1a2: {  	v15 =	vmax.f32 v15, v14  }
0x1a3: {  	[tilespmem:v4+s14+$0x0] =	vst.idx.msk vm1, v15  }
0x1a4: {  	v15 =	vld.idx.msk [tilespmem:v4+s14+$0x0], $0xffff;
	_ =	sdelay $0x4  }
0x1a5: {  	vm2 =	vlt.f32 v15, v14  }
0x1a6: {  	vm1 =	vmand vm1, vm2  }
0x1a7: {  	v15 =	vsel vm1, $0x3F800000, v2  }
0x1a8: {  	(xrf0) =	vmax.scan.msk.f32 $0xffff, v15;
	_ =	sdelay $0x5  }
0x1a9: {  	v15, _, _ =	vpop (xrf0)  }
0x1aa: {  	(v2sf) =	vpush v15, $0xF;
	_ =	sdelay $0xe  }
0x1ab: {  	s12 =	spop (v2sf)  }
0x1ac: {  	p0 =	sgt.f32 s12, $0.0e+00  }
.Ltmp24:
0x1ad: {  	_ = 	snop;
	(pc) =	sbr.rel @p0 .LBB2_36-.Ltmp24, $1  }
0x1ae: {  	_ =	sdelay $0x3  }
0x1af: {  	vm1 =	vmmov vm0  }
.LBB2_38:
0x1b0: {  	v14 =	vld.idx.msk [tilespmem:v4+s15+$0x0], $0xffff;
	_ =	sdelay $0x4  }
0x1b1: {  	v14 =	vmax.f32 v14, v11  }
0x1b2: {  	[tilespmem:v4+s15+$0x0] =	vst.idx.msk vm1, v14  }
0x1b3: {  	v14 =	vld.idx.msk [tilespmem:v4+s15+$0x0], $0xffff;
	_ =	sdelay $0x4  }
0x1b4: {  	vm2 =	vlt.f32 v14, v11  }
0x1b5: {  	vm1 =	vmand vm1, vm2  }
0x1b6: {  	v14 =	vsel vm1, $0x3F800000, v2  }
0x1b7: {  	(xrf0) =	vmax.scan.msk.f32 $0xffff, v14;
	_ =	sdelay $0x5  }
0x1b8: {  	v14, _, _ =	vpop (xrf0)  }
0x1b9: {  	(v2sf) =	vpush v14, $0xF;
	_ =	sdelay $0xe  }
0x1ba: {  	s12 =	spop (v2sf)  }
0x1bb: {  	p0 =	sgt.f32 s12, $0.0e+00  }
.Ltmp25:
0x1bc: {  	_ = 	snop;
	(pc) =	sbr.rel @p0 .LBB2_38-.Ltmp25, $1  }
0x1bd: {  	_ =	sdelay $0x3  }
.Ltmp26:
0x1be: {  	_ = 	snop;
	(pc) =	sbr.rel .LBB2_39-.Ltmp26, $1  }
0x1bf: {  	_ =	sdelay $0x3  }
.LBB2_41:
0x1c0: {  	s7 =	simm.s32 $0x0  }
0x1c1: {  	v9 =	vld [tilespmem:s7+$0xED00]  }
0x1c2: {  	v10 =	vld [tilespmem:s7+$0x11480]  }
0x1c3: {  	v4 =	vld [tilespmem:s7+$0x13C00]  }
0x1c4: {  	v5 =	vld [tilespmem:s7+$0x16380]  }
0x1c5: {  	v8 =	vld [tilespmem:s7+$0x4F00]  }
0x1c6: {  	v6 =	vld [tilespmem:s7+$0x7680]  }
0x1c7: {  	s9 =	simm.s32 $0x40;
	v7 =	vld [tilespmem:s7+$0x9E00]  }
.LBB2_42:
0x1c8: {  	s10 =	sshra.s32 s9, $0x2;
	p0 =	sne.s32 s9, $0x9C00;
	v11 =	vld [tilespmem:s7+$0xC580];
	v12 =	vmov v4  }
0x1c9: {  	v13 =	vld [tilespmem:s10+$0xED00];
	v14 =	vmov v5  }
0x1ca: {  	v15 =	vld [tilespmem:s10+$0x11480];
	v5 =	vmax.f32 v8, v9  }
.Ltmp27:
0x1cb: {  	v4 =	vld [tilespmem:s10+$0x13C00];
	[tilespmem:s7+$0x4F00] =	vst v5;
	v6 =	vmax.f32 v6, v10;
	(pc) =	sbr.rel @p0 .LBB2_42-.Ltmp27, $4  }
0x1cc: {  	v5 =	vld [tilespmem:s10+$0x16380];
	[tilespmem:s7+$0x7680] =	vst v6;
	v6 =	vmax.f32 v7, v12  }
0x1cd: {  	v8 =	vld [tilespmem:s10+$0x4F00];
	[tilespmem:s7+$0x9E00] =	vst v6;
	v7 =	vmax.f32 v11, v14  }
0x1ce: {  	v6 =	vld [tilespmem:s10+$0x7680];
	[tilespmem:s7+$0xC580] =	vst v7;
	v9 =	vmov v13;
	s7 =	smov.u32 s10  }
0x1cf: {  	s9 =	sadd.s32 $0x40, s9;
	v7 =	vld [tilespmem:s7+$0x9E00];
	v10 =	vmov v15  }
0x1d0: {  	v11 =	vld [tilespmem:s7+$0xC580];
	_ =	sdelay $0x1  }
0x1d1: {  	v8 =	vmax.f32 v8, v9  }
0x1d2: {  	[tilespmem:s7+$0x4F00] =	vst v8;
	v6 =	vmax.f32 v6, v10  }
0x1d3: {  	[tilespmem:s7+$0x7680] =	vst v6;
	v4 =	vmax.f32 v7, v4  }
0x1d4: {  	[tilespmem:s7+$0x9E00] =	vst v4;
	v4 =	vmax.f32 v11, v5  }
0x1d5: {  	s9 =	rddreg [dreg:$0x6];
	[tilespmem:s7+$0xC580] =	vst v4  }
0x1d6: {  	[hbm4b:s9+s17] =	stream.strided.scatter [tilespmem:s28], [sflag:$0x3], $0x2780, s18, s17, $0x38;
	[tilespmem:$0x1EF00] =	vst v63  }
0x1d7: {  	_ =	swait.ge [sflag:s19], $0x2780  }
0x1d8: {  	[sflag:s19] =	ssyncset.done $0x0  }
0x1d9: {  	s10 =	rddreg [dreg:$0x7];
	[sflag:s19] =	ssyncadd.s32 $0xFFFFD880  }
0x1da: {  	[hbm4b:s10+s17] =	stream.strided.scatter [tilespmem:s29], [sflag:$0x3], $0x2780, s18, s17, $0x38;
	[tilespmem:$0x1EF00] =	vst v63  }
0x1db: {  	_ =	swait.ge [sflag:s19], $0x2780  }
0x1dc: {  	[sflag:s19] =	ssyncset.done $0x0  }
0x1dd: {  	s11 =	rddreg [dreg:$0x8];
	[sflag:s19] =	ssyncadd.s32 $0xFFFFD880  }
0x1de: {  	[hbm4b:s11+s17] =	stream.strided.scatter [tilespmem:s30], [sflag:$0x3], $0x2780, s18, s17, $0x38;
	[tilespmem:$0x1EF00] =	vst v63  }
0x1df: {  	_ =	swait.ge [sflag:s19], $0x2780  }
0x1e0: {  	[sflag:s19] =	ssyncset.done $0x0  }
0x1e1: {  	s12 =	rddreg [dreg:$0x9];
	[sflag:s19] =	ssyncadd.s32 $0xFFFFD880  }
0x1e2: {  	[hbm4b:s12+s17] =	stream.strided.scatter [tilespmem:s31], [sflag:$0x3], $0x2780, s18, s17, $0x38;
	[tilespmem:$0x1EF00] =	vst v63  }
0x1e3: {  	_ =	swait.ge [sflag:s19], $0x2780  }
0x1e4: {  	s6 =	sadd.s32 $0x1, s6;
	s13 =	rddreg [dreg:$0xa]  }
0x1e5: {  	p0 =	sne.s32 s6, s13  }
.Ltmp28:
0x1e6: {  	_ = 	snop;
	(pc) =	sbr.rel @p0 .LBB2_1-.Ltmp28, $3  }
0x1e7: {  	_ =	sdelay $0x1  }
0x1e8: {  	[sflag:s19] =	ssyncset.done $0x0  }
0x1e9: {  	[sflag:s19] =	ssyncadd.s32 $0xFFFFD880  }
0x1ea: {  	_ =	sfence.sel $0x180000  }
0x1eb: {  	[bflag:$0x0] =	sbarrier.arrive $0xFFFF  }
0x1ec: {  	_ =	strace $0x90000047  }
0x1ed: {  	s0 =	stileid.u32;
	[bflag:$0x2] =	sbarrier.arrive $0xFFFF  }
0x1ee: {  	p0 =	sne.s32 s0, $0x0;
	s0 =	rddreg [dreg:$0x3]  }
0x1ef: {  	s0 =	sadd.s32 @!p0 $0x100000, s0  }
0x1f0: {  	[sflag:s0] =	ssyncadd.tile.s32 @!p0 $0x1;
	_ =	shalt  }
.Lfunc_end2:
_tile_overlayer_lowered:
.L_overlay_start_2:
0x1f1: {  	(tag) =	ssettag $0x2  }
0x1f2: {  	s0 =	rddreg [dreg:$0x0];
	s2 =	stileid.u32  }
0x1f3: {  	s1 =	rddreg [dreg:$0x1];
	p0 =	sne.s32 s2, $0x0  }
0x1f4: {  	s3 =	rddreg [dreg:$0x2];
	[bflag:$0x3] =	sbarrier.arrive $0xFFFF;
	s2 =	simm.s32 @!p0 $0x1C03  }
0x1f5: {  	[timem:s3], [sflag:s2] =	dma.local @!p0 [hbm:s0], s1  }
0x1f6: {  	s0 =	simm.s32 @!p0 $0x3  }
0x1f7: {  	_ =	swait.ge @!p0 [sflag:s0], s1  }
0x1f8: {  	s1 =	ssub.s32 @!p0 $0x0, s1;
	[sflag:s0] =	ssyncset.done @!p0 $0x0  }
0x1f9: {  	[sflag:s0] =	ssyncadd.s32 @!p0 s1  }
0x1fa: {  	[bflag:$0x3] =	sbarrier.arrive $0xFFFF  }
0x1fb: {  	_ =	shalt  }

</sc_bundles>
